<compile_context>
chip_gen: v7x
topology: tpu7x:2x2x1
jax: 0.10.2.dev20260603
libtpu: 0.0.44.dev20260713+nightly
codegen_flags: <defaults>
</compile_context>

<pallas_src>
import functools

import jax
import jax.numpy as jnp
from jax import lax
from jax.experimental import pallas as pl
from jax.experimental.pallas import tpu as pltpu
from jax.experimental.pallas import tpu_sc as plsc

_N = 10000
_E = 320000
_D = 128
_NRAD = 16
_NMOL = 64
_INV_SQRT2 = 0.7071067811865475


def _silu(t):
    return t * jax.nn.sigmoid(t)


_BE = 3200
_BR = _BE // 128
_NB = _E // _BE


def _edge_body(ea_ref, rbf_ref, fin_ref, vx_ref, vy_ref, vz_ref,
               wro_ref, wre_ref, wrf_ref,
               wfa0_ref, wfb0_ref, wfa1_ref, wfb1_ref, wof_ref,
               xm_ref, fx_ref, fy_ref, fz_ref):
    ea = ea_ref[...]
    rbf_out = jnp.dot(rbf_ref[...], wro_ref[...],
                      preferred_element_type=jnp.float32)
    xm_ref[...] = ea * jnp.dot(rbf_out, wre_ref[...],
                               preferred_element_type=jnp.float32)
    h = _silu(jnp.dot(ea, wfa0_ref[...], preferred_element_type=jnp.float32))
    h = _silu(jnp.dot(h, wfb0_ref[...], preferred_element_type=jnp.float32))
    xf = (ea + h) * _INV_SQRT2
    h = _silu(jnp.dot(xf, wfa1_ref[...], preferred_element_type=jnp.float32))
    h = _silu(jnp.dot(h, wfb1_ref[...], preferred_element_type=jnp.float32))
    xf = (xf + h) * _INV_SQRT2
    xf = xf * jnp.dot(rbf_out, wrf_ref[...], preferred_element_type=jnp.float32)
    f = jnp.dot(xf, wof_ref[...], preferred_element_type=jnp.float32)
    fl = jnp.transpose(f).reshape((1, _BR, 128)) + fin_ref[...]
    fx_ref[...] = fl * vx_ref[...]
    fy_ref[...] = fl * vy_ref[...]
    fz_ref[...] = fl * vz_ref[...]


def _edge_compute(edge_attr, rbf, f_in1, vx, vy, vz, w_ro, w_re, w_rf,
                  wfa0, wfb0, wfa1, wfb1, w_of):
    eb = lambda i: (i, 0)
    e1 = lambda i: (i, 0, 0)
    wb = lambda i: (0, 0)
    return pl.pallas_call(
        _edge_body,
        grid=(_E // _BE,),
        in_specs=[
            pl.BlockSpec((_BE, _D), eb),
            pl.BlockSpec((_BE, _NRAD), eb),
            pl.BlockSpec((1, _BR, 128), e1),
            pl.BlockSpec((1, _BR, 128), e1),
            pl.BlockSpec((1, _BR, 128), e1),
            pl.BlockSpec((1, _BR, 128), e1),
            pl.BlockSpec((_NRAD, _NRAD), wb),
            pl.BlockSpec((_NRAD, _D), wb),
            pl.BlockSpec((_NRAD, _D), wb),
            pl.BlockSpec((_D, _D), wb),
            pl.BlockSpec((_D, _D), wb),
            pl.BlockSpec((_D, _D), wb),
            pl.BlockSpec((_D, _D), wb),
            pl.BlockSpec((_D, 1), wb),
        ],
        out_specs=[pl.BlockSpec((_BE, _D), eb),
                   pl.BlockSpec((1, _BR, 128), e1),
                   pl.BlockSpec((1, _BR, 128), e1),
                   pl.BlockSpec((1, _BR, 128), e1)],
        out_shape=[jax.ShapeDtypeStruct((_E, _D), jnp.float32),
                   jax.ShapeDtypeStruct((_NB, _BR, 128), jnp.float32),
                   jax.ShapeDtypeStruct((_NB, _BR, 128), jnp.float32),
                   jax.ShapeDtypeStruct((_NB, _BR, 128), jnp.float32)],
    )(edge_attr, rbf, f_in1, vx, vy, vz,
      w_ro, w_re, w_rf, wfa0, wfb0, wfa1, wfb1, w_of)


_NC = 2
_NS = 16
_NW = _NC * _NS
_CH = 256
_SB = 128
_NCHUNK = _E // _CH
_NP = 10240
_RPT = _NP // _NS


def _sc_body(dst_hbm, xm_hbm, fx_hbm, fy_hbm, fz_hbm, zx_hbm, z1_hbm,
             outx_hbm, ofx_hbm, ofy_hbm, ofz_hbm,
             ix0, ix1, rows0, rows1,
             fv0x, fv0y, fv0z, fv1x, fv1y, fv1z,
             sem0, sem1, xacc, fax, fay, faz):
    ixb = (ix0, ix1)
    rowsb = (rows0, rows1)
    fvb = ((fv0x, fv0y, fv0z), (fv1x, fv1y, fv1z))
    semb = (sem0, sem1)
    c = lax.axis_index("c")
    s = lax.axis_index("s")
    w = s * _NC + c
    r0 = s * _RPT

    def issue_loads(b, e):
        pltpu.async_copy(dst_hbm.at[pl.ds(e, _SB)], ixb[b], semb[b])
        pltpu.async_copy(xm_hbm.at[pl.ds(e, _SB)], rowsb[b], semb[b])
        pltpu.async_copy(fx_hbm.at[pl.ds(e, _SB)], fvb[b][0], semb[b])
        pltpu.async_copy(fy_hbm.at[pl.ds(e, _SB)], fvb[b][1], semb[b])
        pltpu.async_copy(fz_hbm.at[pl.ds(e, _SB)], fvb[b][2], semb[b])

    def wait_loads(b):
        pltpu.make_async_copy(dst_hbm.at[pl.ds(0, _SB)], ixb[b], semb[b]).wait()
        pltpu.make_async_copy(xm_hbm.at[pl.ds(0, _SB)], rowsb[b], semb[b]).wait()
        pltpu.make_async_copy(fx_hbm.at[pl.ds(0, _SB)], fvb[b][0], semb[b]).wait()
        pltpu.make_async_copy(fy_hbm.at[pl.ds(0, _SB)], fvb[b][1], semb[b]).wait()
        pltpu.make_async_copy(fz_hbm.at[pl.ds(0, _SB)], fvb[b][2], semb[b]).wait()

    def scatter(b):
        pltpu.sync_copy(rowsb[b], xacc.at[ixb[b]], add=True)
        pltpu.sync_copy(fvb[b][0], fax.at[ixb[b]], add=True)
        pltpu.sync_copy(fvb[b][1], fay.at[ixb[b]], add=True)
        pltpu.sync_copy(fvb[b][2], faz.at[ixb[b]], add=True)

    issue_loads(0, w * _CH)
    pltpu.sync_copy(zx_hbm.at[pl.ds(r0, _RPT)], xacc.at[pl.ds(r0, _RPT)])
    pltpu.sync_copy(z1_hbm.at[pl.ds(r0, _RPT)], fax.at[pl.ds(r0, _RPT)])
    pltpu.sync_copy(z1_hbm.at[pl.ds(r0, _RPT)], fay.at[pl.ds(r0, _RPT)])
    pltpu.sync_copy(z1_hbm.at[pl.ds(r0, _RPT)], faz.at[pl.ds(r0, _RPT)])
    plsc.subcore_barrier()

    my_count = (_NCHUNK + _NW - 1 - w) // _NW
    e_last = _E - _SB

    def chunk_body(t, carry):
        base = (t * _NW + w) * _CH
        wait_loads(0)
        issue_loads(1, base + _SB)
        scatter(0)
        wait_loads(1)
        e_next = jnp.minimum(((t + 1) * _NW + w) * _CH, e_last)
        issue_loads(0, e_next)
        scatter(1)
        return carry

    lax.fori_loop(0, my_count, chunk_body, 0)
    wait_loads(0)

    plsc.subcore_barrier()
    pltpu.sync_copy(xacc.at[pl.ds(r0, _RPT)],
                    outx_hbm.at[pl.ds(c * _NP + r0, _RPT)])
    pltpu.sync_copy(fax.at[pl.ds(r0, _RPT)],
                    ofx_hbm.at[pl.ds(c * _NP + r0, _RPT)])
    pltpu.sync_copy(fay.at[pl.ds(r0, _RPT)],
                    ofy_hbm.at[pl.ds(c * _NP + r0, _RPT)])
    pltpu.sync_copy(faz.at[pl.ds(r0, _RPT)],
                    ofz_hbm.at[pl.ds(c * _NP + r0, _RPT)])


_sc_scatter = functools.partial(
    pl.kernel,
    out_type=[jax.ShapeDtypeStruct((_NC * _NP, _D), jnp.float32),
              jax.ShapeDtypeStruct((_NC * _NP,), jnp.float32),
              jax.ShapeDtypeStruct((_NC * _NP,), jnp.float32),
              jax.ShapeDtypeStruct((_NC * _NP,), jnp.float32)],
    mesh=plsc.VectorSubcoreMesh(core_axis_name="c", subcore_axis_name="s"),
    scratch_types=(
        [pltpu.VMEM((_SB,), jnp.int32)] * 2
        + [pltpu.VMEM((_SB, _D), jnp.float32)] * 2
        + [pltpu.VMEM((_SB,), jnp.float32)] * 6
        + [pltpu.SemaphoreType.DMA] * 2
        + [pltpu.VMEM_SHARED((_NP, _D), jnp.float32)]
        + [pltpu.VMEM_SHARED((_NP,), jnp.float32)] * 3
    ),
)(_sc_body)


def _node_body(px_ref, ein_ref, bidx_ref, w1_ref, wa0_ref, wb0_ref,
               wa1_ref, wb1_ref, woe_ref, emol_ref):
    xe = px_ref[0:_N, :] + px_ref[_NP:_NP + _N, :]
    xe = _silu(jnp.dot(xe, w1_ref[...], preferred_element_type=jnp.float32))
    h = _silu(jnp.dot(xe, wa0_ref[...], preferred_element_type=jnp.float32))
    h = _silu(jnp.dot(h, wb0_ref[...], preferred_element_type=jnp.float32))
    xe = (xe + h) * _INV_SQRT2
    h = _silu(jnp.dot(xe, wa1_ref[...], preferred_element_type=jnp.float32))
    h = _silu(jnp.dot(h, wb1_ref[...], preferred_element_type=jnp.float32))
    xe = (xe + h) * _INV_SQRT2
    e_atom = jnp.dot(xe, woe_ref[...], preferred_element_type=jnp.float32)
    e_atom = e_atom + ein_ref[...]
    mol = lax.broadcasted_iota(jnp.int32, (_N, _NMOL), 1)
    mask = (bidx_ref[...] == mol).astype(jnp.float32)
    emol_ref[...] = lax.dot_general(
        mask, e_atom, (((0,), (0,)), ((), ())),
        preferred_element_type=jnp.float32)


def _node_compute(px, e_in, bidx, w1, wa0, wb0, wa1, wb1, woe):
    return pl.pallas_call(
        _node_body,
        out_shape=jax.ShapeDtypeStruct((_NMOL, 1), jnp.float32),
    )(px, e_in, bidx, w1, wa0, wb0, wa1, wb1, woe)


def kernel(x, edge_attr, edge_index, rbf, batch_idx, E_in, F_in, v, y,
           W_rbf_out, W_rbf_E, W1_E, WresE0a, WresE0b, WresE1a, WresE1b,
           W_out_E, WresF0a, WresF0b, WresF1a, WresF1b, W_rbf_F, W_out_F):
    vt = v.T
    fs = (_NB, _BR, 128)
    xm, fx2, fy2, fz2 = _edge_compute(
        edge_attr, rbf, F_in.reshape(fs),
        vt[0].reshape(fs), vt[1].reshape(fs), vt[2].reshape(fs),
        W_rbf_out, W_rbf_E, W_rbf_F, WresF0a, WresF0b, WresF1a,
        WresF1b, W_out_F)
    fx = fx2.reshape(_E)
    fy = fy2.reshape(_E)
    fz = fz2.reshape(_E)
    dst1d = edge_index[1]
    zx = jnp.zeros((_NP, _D), jnp.float32)
    z1 = jnp.zeros((_NP,), jnp.float32)
    px, ofx, ofy, ofz = _sc_scatter(dst1d, xm, fx, fy, fz, zx, z1)
    emol = _node_compute(px, E_in, batch_idx.reshape(_N, 1), W1_E,
                         WresE0a, WresE0b, WresE1a, WresE1b, W_out_E)
    fj = jnp.stack([ofx[0:_N] + ofx[_NP:_NP + _N],
                    ofy[0:_N] + ofy[_NP:_NP + _N],
                    ofz[0:_N] + ofz[_NP:_NP + _N]], axis=1)
    return (emol, fj, y)

# --- scband reference (transcript-rebuilt; emitter-appended) ---
"""Pipeline reference for scband-gem-net-graph-head-85744727097467 (READ-ONLY COPY).

The authoritative reference and input builder live on the scoring server;
editing this copy changes nothing except your own understanding.
"""

import jax, jax.numpy as jnp
import numpy as np

N = 10000
E = 320000
D_ATOM = 128
D_EDGE = 128
D_RBF = 16
NUM_RADIAL = 16
NMOL = 64


def _silu(x):
    return x * jax.nn.sigmoid(x)


def _residual(x, Wa, Wb):
    h = _silu(x @ Wa)
    h = _silu(h @ Wb)
    return (x + h) * (1.0 / np.sqrt(2.0))


def setup_inputs(seed: int = 0):
    key = jax.random.key(seed)
    ks = jax.random.split(key, 24)

    def w(k, shape):
        return jax.random.normal(k, shape, dtype=jnp.float32) * (1.0 / np.sqrt(shape[0]))

    inp = {}
    inp["x"] = jax.random.normal(ks[0], (N, D_ATOM), dtype=jnp.float32)
    inp["edge_attr"] = jax.random.normal(ks[1], (E, D_EDGE), dtype=jnp.float32) * 0.1
    inp["edge_index"] = jax.random.randint(ks[2], (2, E), 0, N, dtype=jnp.int32)
    inp["rbf"] = jax.random.uniform(ks[3], (E, NUM_RADIAL), dtype=jnp.float32)
    inp["batch_idx"] = jnp.sort(jax.random.randint(ks[4], (N,), 0, NMOL, dtype=jnp.int32))
    inp["E_in"] = jax.random.normal(ks[5], (N, 1), dtype=jnp.float32) * 0.1
    inp["F_in"] = jax.random.normal(ks[6], (E, 1), dtype=jnp.float32) * 0.1
    inp["v"] = jax.random.normal(ks[7], (E, 3), dtype=jnp.float32)
    inp["y"] = jax.random.normal(ks[8], (NMOL, 1), dtype=jnp.float32)
    inp["W_rbf_out"] = w(ks[9], (NUM_RADIAL, D_RBF))
    inp["W_rbf_E"] = w(ks[10], (D_RBF, D_EDGE))
    inp["W1_E"] = w(ks[11], (D_EDGE, D_ATOM))
    inp["WresE0a"] = w(ks[12], (D_ATOM, D_ATOM))
    inp["WresE0b"] = w(ks[13], (D_ATOM, D_ATOM))
    inp["WresE1a"] = w(ks[14], (D_ATOM, D_ATOM))
    inp["WresE1b"] = w(ks[15], (D_ATOM, D_ATOM))
    inp["W_out_E"] = w(ks[16], (D_ATOM, 1))
    inp["WresF0a"] = w(ks[17], (D_EDGE, D_EDGE))
    inp["WresF0b"] = w(ks[18], (D_EDGE, D_EDGE))
    inp["WresF1a"] = w(ks[19], (D_EDGE, D_EDGE))
    inp["WresF1b"] = w(ks[20], (D_EDGE, D_EDGE))
    inp["W_rbf_F"] = w(ks[21], (D_RBF, D_EDGE))
    inp["W_out_F"] = w(ks[22], (D_EDGE, 1))
    return inp


def reference(x, edge_attr, edge_index, rbf, batch_idx, E_in, F_in, v, y,
              W_rbf_out, W_rbf_E, W1_E, WresE0a, WresE0b, WresE1a, WresE1b,
              W_out_E, WresF0a, WresF0b, WresF1a, WresF1b, W_rbf_F, W_out_F):
    dst = edge_index[1]
    # mlp_rbf_out: Dense(num_radial -> emb_size_rbf), no bias
    rbf_out = rbf @ W_rbf_out
    # ---- energy branch ----
    xm = edge_attr * (rbf_out @ W_rbf_E)  # (E, D_EDGE)
    xE = jax.ops.segment_sum(xm, dst, num_segments=N)  # (N, D_EDGE)
    xE = _silu(xE @ W1_E)
    xE = _residual(xE, WresE0a, WresE0b)
    xE = _residual(xE, WresE1a, WresE1b)
    E_atom = xE @ W_out_E + E_in  # (N, 1)
    E_mol = jax.ops.segment_sum(E_atom, batch_idx, num_segments=NMOL)  # (NMOL, 1)
    # ---- direct forces branch ----
    xF = _residual(edge_attr, WresF0a, WresF0b)
    xF = _residual(xF, WresF1a, WresF1b)
    xF = xF * (rbf_out @ W_rbf_F)
    F = xF @ W_out_F + F_in  # (E, 1)
    F_ji = F * v  # (E, 3)
    F_j = jax.ops.segment_sum(F_ji, dst, num_segments=N)  # (N, 3)
    return (E_mol, F_j, y)

if __name__ == "__main__":
    import jax
    _d = setup_inputs()
    print(jax.jit(kernel)(*tuple(_d.values())))

</pallas_src>

<mosaic_0001>
#map = affine_map<(d0, d1) -> (0)>
#map1 = affine_map<(d0, d1) -> (0, 0)>
module attributes {stable_mosaic.version = 14 : i64} {
  func.func @_sc_body(%arg0: i32, %arg1: i32, %arg2: memref<320000xi32, #tpu.memory_space<hbm>>, %arg3: memref<320000x128xf32, #tpu.memory_space<hbm>>, %arg4: memref<320000xf32, #tpu.memory_space<hbm>>, %arg5: memref<320000xf32, #tpu.memory_space<hbm>>, %arg6: memref<320000xf32, #tpu.memory_space<hbm>>, %arg7: memref<10240x128xf32, #tpu.memory_space<hbm>>, %arg8: memref<10240xf32, #tpu.memory_space<hbm>>, %arg9: memref<20480x128xf32, #tpu.memory_space<hbm>>, %arg10: memref<20480xf32, #tpu.memory_space<hbm>>, %arg11: memref<20480xf32, #tpu.memory_space<hbm>>, %arg12: memref<20480xf32, #tpu.memory_space<hbm>>, %arg13: memref<128xi32, #tpu.memory_space<vmem>>, %arg14: memref<128xi32, #tpu.memory_space<vmem>>, %arg15: memref<128x128xf32, #tpu.memory_space<vmem>>, %arg16: memref<128x128xf32, #tpu.memory_space<vmem>>, %arg17: memref<128xf32, #tpu.memory_space<vmem>>, %arg18: memref<128xf32, #tpu.memory_space<vmem>>, %arg19: memref<128xf32, #tpu.memory_space<vmem>>, %arg20: memref<128xf32, #tpu.memory_space<vmem>>, %arg21: memref<128xf32, #tpu.memory_space<vmem>>, %arg22: memref<128xf32, #tpu.memory_space<vmem>>, %arg23: memref<!tpu.dma_semaphore, #tpu.memory_space<semaphore_mem>>, %arg24: memref<!tpu.dma_semaphore, #tpu.memory_space<semaphore_mem>>, %arg25: memref<10240x128xf32, #tpu.memory_space<vmem_shared>>, %arg26: memref<10240xf32, #tpu.memory_space<vmem_shared>>, %arg27: memref<10240xf32, #tpu.memory_space<vmem_shared>>, %arg28: memref<10240xf32, #tpu.memory_space<vmem_shared>>) attributes {dimension_semantics = [#tpu.dimension_semantics<core_parallel>, #tpu.dimension_semantics<subcore_parallel>], iteration_bounds = array<i64: 2, 16>, scalar_prefetch = 0 : i64, scratch_operands = 16 : i64, tpu.core_type = #tpu.core_type<sc_vector_subcore>, window_params = [{transform_indices = #map}, {transform_indices = #map1}, {transform_indices = #map}, {transform_indices = #map}, {transform_indices = #map}, {transform_indices = #map1}, {transform_indices = #map}, {transform_indices = #map1}, {transform_indices = #map}, {transform_indices = #map}, {transform_indices = #map}]} {
    %mul3A = arith.constant 2 : i32
    %mul3A_0 = arith.muli %arg1, %mul3A : i32
    %add3A = arith.addi %mul3A_0, %arg0 : i32
    %mul3A_1 = arith.constant 640 : i32
    %mul3A_2 = arith.muli %arg1, %mul3A_1 : i32
    %mul3A_3 = arith.constant 256 : i32
    %mul3A_4 = arith.muli %add3A, %mul3A_3 : i32
    %dma_start3A = tpu.memref_slice %arg2[%mul3A_4] : memref<320000xi32, #tpu.memory_space<hbm>> -> memref<128xi32, #tpu.memory_space<hbm>>
    %dma_start3A_5 = tpu.memref_slice %arg2[%mul3A_4] : memref<320000xi32, #tpu.memory_space<hbm>> -> memref<128xi32, #tpu.memory_space<hbm>>
    tpu.enqueue_dma source(%dma_start3A_5 : memref<128xi32, #tpu.memory_space<hbm>>) target(%arg13 : memref<128xi32, #tpu.memory_space<vmem>>) target_semaphore(%arg23 : memref<!tpu.dma_semaphore, #tpu.memory_space<semaphore_mem>>)
    %dma_start3A_6 = arith.constant 0 : i32
    %dma_start3A_7 = tpu.memref_slice %arg3[%mul3A_4, %dma_start3A_6] : memref<320000x128xf32, #tpu.memory_space<hbm>> -> memref<128x128xf32, #tpu.memory_space<hbm>>
    %dma_start3A_8 = arith.constant 0 : i32
    %dma_start3A_9 = tpu.memref_slice %arg3[%mul3A_4, %dma_start3A_8] : memref<320000x128xf32, #tpu.memory_space<hbm>> -> memref<128x128xf32, #tpu.memory_space<hbm>>
    tpu.enqueue_dma source(%dma_start3A_9 : memref<128x128xf32, #tpu.memory_space<hbm>>) target(%arg15 : memref<128x128xf32, #tpu.memory_space<vmem>>) target_semaphore(%arg23 : memref<!tpu.dma_semaphore, #tpu.memory_space<semaphore_mem>>)
    %dma_start3A_10 = tpu.memref_slice %arg4[%mul3A_4] : memref<320000xf32, #tpu.memory_space<hbm>> -> memref<128xf32, #tpu.memory_space<hbm>>
    %dma_start3A_11 = tpu.memref_slice %arg4[%mul3A_4] : memref<320000xf32, #tpu.memory_space<hbm>> -> memref<128xf32, #tpu.memory_space<hbm>>
    tpu.enqueue_dma source(%dma_start3A_11 : memref<128xf32, #tpu.memory_space<hbm>>) target(%arg17 : memref<128xf32, #tpu.memory_space<vmem>>) target_semaphore(%arg23 : memref<!tpu.dma_semaphore, #tpu.memory_space<semaphore_mem>>)
    %dma_start3A_12 = tpu.memref_slice %arg5[%mul3A_4] : memref<320000xf32, #tpu.memory_space<hbm>> -> memref<128xf32, #tpu.memory_space<hbm>>
    %dma_start3A_13 = tpu.memref_slice %arg5[%mul3A_4] : memref<320000xf32, #tpu.memory_space<hbm>> -> memref<128xf32, #tpu.memory_space<hbm>>
    tpu.enqueue_dma source(%dma_start3A_13 : memref<128xf32, #tpu.memory_space<hbm>>) target(%arg18 : memref<128xf32, #tpu.memory_space<vmem>>) target_semaphore(%arg23 : memref<!tpu.dma_semaphore, #tpu.memory_space<semaphore_mem>>)
    %dma_start3A_14 = tpu.memref_slice %arg6[%mul3A_4] : memref<320000xf32, #tpu.memory_space<hbm>> -> memref<128xf32, #tpu.memory_space<hbm>>
    %dma_start3A_15 = tpu.memref_slice %arg6[%mul3A_4] : memref<320000xf32, #tpu.memory_space<hbm>> -> memref<128xf32, #tpu.memory_space<hbm>>
    tpu.enqueue_dma source(%dma_start3A_15 : memref<128xf32, #tpu.memory_space<hbm>>) target(%arg19 : memref<128xf32, #tpu.memory_space<vmem>>) target_semaphore(%arg23 : memref<!tpu.dma_semaphore, #tpu.memory_space<semaphore_mem>>)
    "tpu.region"() ({
      %run_scoped3A = tpu.sem_alloc : memref<!tpu.dma_semaphore, #tpu.memory_space<semaphore_mem>>
      %dma_start3A_77 = arith.constant 0 : i32
      %dma_start3A_78 = tpu.memref_slice %arg25[%mul3A_2, %dma_start3A_77] : memref<10240x128xf32, #tpu.memory_space<vmem_shared>> -> memref<640x128xf32, #tpu.memory_space<vmem_shared>>
      %dma_start3A_79 = arith.constant 0 : i32
      %dma_start3A_80 = tpu.memref_slice %arg7[%mul3A_2, %dma_start3A_79] : memref<10240x128xf32, #tpu.memory_space<hbm>> -> memref<640x128xf32, #tpu.memory_space<hbm>>
      tpu.enqueue_dma source(%dma_start3A_80 : memref<640x128xf32, #tpu.memory_space<hbm>>) target(%dma_start3A_78 : memref<640x128xf32, #tpu.memory_space<vmem_shared>>) target_semaphore(%run_scoped3A : memref<!tpu.dma_semaphore, #tpu.memory_space<semaphore_mem>>)
      %dma_wait3A_81 = arith.constant 0 : i32
      %dma_wait3A_82 = tpu.memref_slice %arg25[%mul3A_2, %dma_wait3A_81] : memref<10240x128xf32, #tpu.memory_space<vmem_shared>> -> memref<640x128xf32, #tpu.memory_space<vmem_shared>>
      %dma_wait3A_83 = arith.constant 0 : i32
      %dma_wait3A_84 = tpu.memref_slice %arg7[%mul3A_2, %dma_wait3A_83] : memref<10240x128xf32, #tpu.memory_space<hbm>> -> memref<640x128xf32, #tpu.memory_space<hbm>>
      tpu.wait_dma2 semaphore(%run_scoped3A : memref<!tpu.dma_semaphore, #tpu.memory_space<semaphore_mem>>) src(%dma_wait3A_84 : memref<640x128xf32, #tpu.memory_space<hbm>>) dst(%dma_wait3A_82 : memref<640x128xf32, #tpu.memory_space<vmem_shared>>)
      tpu.yield
    }) : () -> ()
    "tpu.region"() ({
      %run_scoped3A = tpu.sem_alloc : memref<!tpu.dma_semaphore, #tpu.memory_space<semaphore_mem>>
      %dma_start3A_77 = tpu.memref_slice %arg26[%mul3A_2] : memref<10240xf32, #tpu.memory_space<vmem_shared>> -> memref<640xf32, #tpu.memory_space<vmem_shared>>
      %dma_start3A_78 = tpu.memref_slice %arg8[%mul3A_2] : memref<10240xf32, #tpu.memory_space<hbm>> -> memref<640xf32, #tpu.memory_space<hbm>>
      tpu.enqueue_dma source(%dma_start3A_78 : memref<640xf32, #tpu.memory_space<hbm>>) target(%dma_start3A_77 : memref<640xf32, #tpu.memory_space<vmem_shared>>) target_semaphore(%run_scoped3A : memref<!tpu.dma_semaphore, #tpu.memory_space<semaphore_mem>>)
      %dma_wait3A_79 = tpu.memref_slice %arg26[%mul3A_2] : memref<10240xf32, #tpu.memory_space<vmem_shared>> -> memref<640xf32, #tpu.memory_space<vmem_shared>>
      %dma_wait3A_80 = tpu.memref_slice %arg8[%mul3A_2] : memref<10240xf32, #tpu.memory_space<hbm>> -> memref<640xf32, #tpu.memory_space<hbm>>
      tpu.wait_dma2 semaphore(%run_scoped3A : memref<!tpu.dma_semaphore, #tpu.memory_space<semaphore_mem>>) src(%dma_wait3A_80 : memref<640xf32, #tpu.memory_space<hbm>>) dst(%dma_wait3A_79 : memref<640xf32, #tpu.memory_space<vmem_shared>>)
      tpu.yield
    }) : () -> ()
    "tpu.region"() ({
      %run_scoped3A = tpu.sem_alloc : memref<!tpu.dma_semaphore, #tpu.memory_space<semaphore_mem>>
      %dma_start3A_77 = tpu.memref_slice %arg27[%mul3A_2] : memref<10240xf32, #tpu.memory_space<vmem_shared>> -> memref<640xf32, #tpu.memory_space<vmem_shared>>
      %dma_start3A_78 = tpu.memref_slice %arg8[%mul3A_2] : memref<10240xf32, #tpu.memory_space<hbm>> -> memref<640xf32, #tpu.memory_space<hbm>>
      tpu.enqueue_dma source(%dma_start3A_78 : memref<640xf32, #tpu.memory_space<hbm>>) target(%dma_start3A_77 : memref<640xf32, #tpu.memory_space<vmem_shared>>) target_semaphore(%run_scoped3A : memref<!tpu.dma_semaphore, #tpu.memory_space<semaphore_mem>>)
      %dma_wait3A_79 = tpu.memref_slice %arg27[%mul3A_2] : memref<10240xf32, #tpu.memory_space<vmem_shared>> -> memref<640xf32, #tpu.memory_space<vmem_shared>>
      %dma_wait3A_80 = tpu.memref_slice %arg8[%mul3A_2] : memref<10240xf32, #tpu.memory_space<hbm>> -> memref<640xf32, #tpu.memory_space<hbm>>
      tpu.wait_dma2 semaphore(%run_scoped3A : memref<!tpu.dma_semaphore, #tpu.memory_space<semaphore_mem>>) src(%dma_wait3A_80 : memref<640xf32, #tpu.memory_space<hbm>>) dst(%dma_wait3A_79 : memref<640xf32, #tpu.memory_space<vmem_shared>>)
      tpu.yield
    }) : () -> ()
    "tpu.region"() ({
      %run_scoped3A = tpu.sem_alloc : memref<!tpu.dma_semaphore, #tpu.memory_space<semaphore_mem>>
      %dma_start3A_77 = tpu.memref_slice %arg28[%mul3A_2] : memref<10240xf32, #tpu.memory_space<vmem_shared>> -> memref<640xf32, #tpu.memory_space<vmem_shared>>
      %dma_start3A_78 = tpu.memref_slice %arg8[%mul3A_2] : memref<10240xf32, #tpu.memory_space<hbm>> -> memref<640xf32, #tpu.memory_space<hbm>>
      tpu.enqueue_dma source(%dma_start3A_78 : memref<640xf32, #tpu.memory_space<hbm>>) target(%dma_start3A_77 : memref<640xf32, #tpu.memory_space<vmem_shared>>) target_semaphore(%run_scoped3A : memref<!tpu.dma_semaphore, #tpu.memory_space<semaphore_mem>>)
      %dma_wait3A_79 = tpu.memref_slice %arg28[%mul3A_2] : memref<10240xf32, #tpu.memory_space<vmem_shared>> -> memref<640xf32, #tpu.memory_space<vmem_shared>>
      %dma_wait3A_80 = tpu.memref_slice %arg8[%mul3A_2] : memref<10240xf32, #tpu.memory_space<hbm>> -> memref<640xf32, #tpu.memory_space<hbm>>
      tpu.wait_dma2 semaphore(%run_scoped3A : memref<!tpu.dma_semaphore, #tpu.memory_space<semaphore_mem>>) src(%dma_wait3A_80 : memref<640xf32, #tpu.memory_space<hbm>>) dst(%dma_wait3A_79 : memref<640xf32, #tpu.memory_space<vmem_shared>>)
      tpu.yield
    }) : () -> ()
    %barrier3A = arith.constant 0 : index
    tpu.barrier barrier_id(%barrier3A)
    %sub3A = arith.constant 1281 : i32
    %sub3A_16 = arith.subi %sub3A, %add3A : i32
    %jit3A = arith.constant 32 : i32
    %div3A = arith.divsi %sub3A_16, %jit3A : i32
    %sign3A = arith.constant 0 : i32
    %sign3A_17 = arith.cmpi sgt, %sub3A_16, %sign3A : i32
    %sign3A_18 = arith.extui %sign3A_17 : i1 to i32
    %sign3A_19 = arith.constant 0 : i32
    %sign3A_20 = arith.cmpi slt, %sub3A_16, %sign3A_19 : i32
    %sign3A_21 = arith.extui %sign3A_20 : i1 to i32
    %sign3A_22 = arith.subi %sign3A_18, %sign3A_21 : i32
    %sign3A_23 = arith.constant 0 : i32
    %sign3A_24 = arith.cmpi sgt, %jit3A, %sign3A_23 : i32
    %sign3A_25 = arith.extui %sign3A_24 : i1 to i32
    %sign3A_26 = arith.constant 0 : i32
    %sign3A_27 = arith.cmpi slt, %jit3A, %sign3A_26 : i32
    %sign3A_28 = arith.extui %sign3A_27 : i1 to i32
    %sign3A_29 = arith.subi %sign3A_25, %sign3A_28 : i32
    %ne3A = arith.cmpi ne, %sign3A_22, %sign3A_29 : i32
    %rem3A = arith.remsi %sub3A_16, %jit3A : i32
    %ne3A_30 = arith.constant 0 : i32
    %ne3A_31 = arith.cmpi ne, %rem3A, %ne3A_30 : i32
    %and3A = arith.andi %ne3A, %ne3A_31 : i1
    %sub3A_32 = arith.constant 1 : i32
    %sub3A_33 = arith.subi %div3A, %sub3A_32 : i32
    %select_n3A = arith.select %and3A, %sub3A_33, %div3A : i32
    %while3A = arith.constant 0 : i32
    %while3A_34 = arith.constant 0 : i32
    %while3A_35 = arith.subi %select_n3A, %while3A_34 : i32
    %while3A_36 = arith.addi %while3A_34, %while3A_35 : i32
    %while3A_37 = arith.constant 1 : i32
    %while3A_38 = arith.divsi %while3A_35, %while3A_37 : i32
    %while3A_39 = arith.muli %while3A_38, %while3A_37 : i32
    %while3A_40 = arith.addi %while3A_34, %while3A_39 : i32
    %while3A_41 = arith.constant 1 : i32
    scf.for %while3A_77 = %while3A_34 to %while3A_40 step %while3A_41  : i32 {
      %mul3A_78 = arith.constant 32 : i32
      %mul3A_79 = arith.muli %while3A_77, %mul3A_78 : i32
      %add3A_80 = arith.addi %mul3A_79, %add3A : i32
      %mul3A_81 = arith.constant 256 : i32
      %mul3A_82 = arith.muli %add3A_80, %mul3A_81 : i32
      %dma_wait3A_83 = arith.constant 0 : i32
      %dma_wait3A_84 = tpu.memref_slice %arg2[%dma_wait3A_83] : memref<320000xi32, #tpu.memory_space<hbm>> -> memref<128xi32, #tpu.memory_space<hbm>>
      %dma_wait3A_85 = arith.constant 0 : i32
      %dma_wait3A_86 = tpu.memref_slice %arg2[%dma_wait3A_85] : memref<320000xi32, #tpu.memory_space<hbm>> -> memref<128xi32, #tpu.memory_space<hbm>>
      tpu.wait_dma2 semaphore(%arg23 : memref<!tpu.dma_semaphore, #tpu.memory_space<semaphore_mem>>) src(%dma_wait3A_86 : memref<128xi32, #tpu.memory_space<hbm>>) dst(%arg13 : memref<128xi32, #tpu.memory_space<vmem>>)
      %dma_wait3A_87 = arith.constant 0 : i32
      %dma_wait3A_88 = arith.constant 0 : i32
      %dma_wait3A_89 = tpu.memref_slice %arg3[%dma_wait3A_87, %dma_wait3A_88] : memref<320000x128xf32, #tpu.memory_space<hbm>> -> memref<128x128xf32, #tpu.memory_space<hbm>>
      %dma_wait3A_90 = arith.constant 0 : i32
      %dma_wait3A_91 = arith.constant 0 : i32
      %dma_wait3A_92 = tpu.memref_slice %arg3[%dma_wait3A_90, %dma_wait3A_91] : memref<320000x128xf32, #tpu.memory_space<hbm>> -> memref<128x128xf32, #tpu.memory_space<hbm>>
      tpu.wait_dma2 semaphore(%arg23 : memref<!tpu.dma_semaphore, #tpu.memory_space<semaphore_mem>>) src(%dma_wait3A_92 : memref<128x128xf32, #tpu.memory_space<hbm>>) dst(%arg15 : memref<128x128xf32, #tpu.memory_space<vmem>>)
      %dma_wait3A_93 = arith.constant 0 : i32
      %dma_wait3A_94 = tpu.memref_slice %arg4[%dma_wait3A_93] : memref<320000xf32, #tpu.memory_space<hbm>> -> memref<128xf32, #tpu.memory_space<hbm>>
      %dma_wait3A_95 = arith.constant 0 : i32
      %dma_wait3A_96 = tpu.memref_slice %arg4[%dma_wait3A_95] : memref<320000xf32, #tpu.memory_space<hbm>> -> memref<128xf32, #tpu.memory_space<hbm>>
      tpu.wait_dma2 semaphore(%arg23 : memref<!tpu.dma_semaphore, #tpu.memory_space<semaphore_mem>>) src(%dma_wait3A_96 : memref<128xf32, #tpu.memory_space<hbm>>) dst(%arg17 : memref<128xf32, #tpu.memory_space<vmem>>)
      %dma_wait3A_97 = arith.constant 0 : i32
      %dma_wait3A_98 = tpu.memref_slice %arg5[%dma_wait3A_97] : memref<320000xf32, #tpu.memory_space<hbm>> -> memref<128xf32, #tpu.memory_space<hbm>>
      %dma_wait3A_99 = arith.constant 0 : i32
      %dma_wait3A_100 = tpu.memref_slice %arg5[%dma_wait3A_99] : memref<320000xf32, #tpu.memory_space<hbm>> -> memref<128xf32, #tpu.memory_space<hbm>>
      tpu.wait_dma2 semaphore(%arg23 : memref<!tpu.dma_semaphore, #tpu.memory_space<semaphore_mem>>) src(%dma_wait3A_100 : memref<128xf32, #tpu.memory_space<hbm>>) dst(%arg18 : memref<128xf32, #tpu.memory_space<vmem>>)
      %dma_wait3A_101 = arith.constant 0 : i32
      %dma_wait3A_102 = tpu.memref_slice %arg6[%dma_wait3A_101] : memref<320000xf32, #tpu.memory_space<hbm>> -> memref<128xf32, #tpu.memory_space<hbm>>
      %dma_wait3A_103 = arith.constant 0 : i32
      %dma_wait3A_104 = tpu.memref_slice %arg6[%dma_wait3A_103] : memref<320000xf32, #tpu.memory_space<hbm>> -> memref<128xf32, #tpu.memory_space<hbm>>
      tpu.wait_dma2 semaphore(%arg23 : memref<!tpu.dma_semaphore, #tpu.memory_space<semaphore_mem>>) src(%dma_wait3A_104 : memref<128xf32, #tpu.memory_space<hbm>>) dst(%arg19 : memref<128xf32, #tpu.memory_space<vmem>>)
      %add3A_105 = arith.constant 128 : i32
      %add3A_106 = arith.addi %mul3A_82, %add3A_105 : i32
      %dma_start3A_107 = tpu.memref_slice %arg2[%add3A_106] : memref<320000xi32, #tpu.memory_space<hbm>> -> memref<128xi32, #tpu.memory_space<hbm>>
      %dma_start3A_108 = tpu.memref_slice %arg2[%add3A_106] : memref<320000xi32, #tpu.memory_space<hbm>> -> memref<128xi32, #tpu.memory_space<hbm>>
      tpu.enqueue_dma source(%dma_start3A_108 : memref<128xi32, #tpu.memory_space<hbm>>) target(%arg14 : memref<128xi32, #tpu.memory_space<vmem>>) target_semaphore(%arg24 : memref<!tpu.dma_semaphore, #tpu.memory_space<semaphore_mem>>)
      %dma_start3A_109 = arith.constant 0 : i32
      %dma_start3A_110 = tpu.memref_slice %arg3[%add3A_106, %dma_start3A_109] : memref<320000x128xf32, #tpu.memory_space<hbm>> -> memref<128x128xf32, #tpu.memory_space<hbm>>
      %dma_start3A_111 = arith.constant 0 : i32
      %dma_start3A_112 = tpu.memref_slice %arg3[%add3A_106, %dma_start3A_111] : memref<320000x128xf32, #tpu.memory_space<hbm>> -> memref<128x128xf32, #tpu.memory_space<hbm>>
      tpu.enqueue_dma source(%dma_start3A_112 : memref<128x128xf32, #tpu.memory_space<hbm>>) target(%arg16 : memref<128x128xf32, #tpu.memory_space<vmem>>) target_semaphore(%arg24 : memref<!tpu.dma_semaphore, #tpu.memory_space<semaphore_mem>>)
      %dma_start3A_113 = tpu.memref_slice %arg4[%add3A_106] : memref<320000xf32, #tpu.memory_space<hbm>> -> memref<128xf32, #tpu.memory_space<hbm>>
      %dma_start3A_114 = tpu.memref_slice %arg4[%add3A_106] : memref<320000xf32, #tpu.memory_space<hbm>> -> memref<128xf32, #tpu.memory_space<hbm>>
      tpu.enqueue_dma source(%dma_start3A_114 : memref<128xf32, #tpu.memory_space<hbm>>) target(%arg20 : memref<128xf32, #tpu.memory_space<vmem>>) target_semaphore(%arg24 : memref<!tpu.dma_semaphore, #tpu.memory_space<semaphore_mem>>)
      %dma_start3A_115 = tpu.memref_slice %arg5[%add3A_106] : memref<320000xf32, #tpu.memory_space<hbm>> -> memref<128xf32, #tpu.memory_space<hbm>>
      %dma_start3A_116 = tpu.memref_slice %arg5[%add3A_106] : memref<320000xf32, #tpu.memory_space<hbm>> -> memref<128xf32, #tpu.memory_space<hbm>>
      tpu.enqueue_dma source(%dma_start3A_116 : memref<128xf32, #tpu.memory_space<hbm>>) target(%arg21 : memref<128xf32, #tpu.memory_space<vmem>>) target_semaphore(%arg24 : memref<!tpu.dma_semaphore, #tpu.memory_space<semaphore_mem>>)
      %dma_start3A_117 = tpu.memref_slice %arg6[%add3A_106] : memref<320000xf32, #tpu.memory_space<hbm>> -> memref<128xf32, #tpu.memory_space<hbm>>
      %dma_start3A_118 = tpu.memref_slice %arg6[%add3A_106] : memref<320000xf32, #tpu.memory_space<hbm>> -> memref<128xf32, #tpu.memory_space<hbm>>
      tpu.enqueue_dma source(%dma_start3A_118 : memref<128xf32, #tpu.memory_space<hbm>>) target(%arg22 : memref<128xf32, #tpu.memory_space<vmem>>) target_semaphore(%arg24 : memref<!tpu.dma_semaphore, #tpu.memory_space<semaphore_mem>>)
      "tpu.region"() ({
        %run_scoped3A = tpu.sem_alloc : memref<!tpu.dma_semaphore, #tpu.memory_space<semaphore_mem>>
        %dma_start3A_161 = arith.constant 0 : i32
        %dma_start3A_162 = arith.constant 0 : i32
        %dma_start3A_163 = tpu.memref_slice %arg25[%dma_start3A_161, %dma_start3A_162] : memref<10240x128xf32, #tpu.memory_space<vmem_shared>> -> memref<10240x128xf32, #tpu.memory_space<vmem_shared>>
        tpu.enqueue_indirect_dma source(%arg15 : memref<128x128xf32, #tpu.memory_space<vmem>>) target(%dma_start3A_163 : memref<10240x128xf32, #tpu.memory_space<vmem_shared>>) offsets(%arg13 : memref<128xi32, #tpu.memory_space<vmem>>) semaphore(%run_scoped3A : memref<!tpu.dma_semaphore, #tpu.memory_space<semaphore_mem>>) {add = true}
        %dma_wait3A_164 = arith.constant 0 : i32
        %dma_wait3A_165 = arith.constant 0 : i32
        %dma_wait3A_166 = tpu.memref_slice %arg25[%dma_wait3A_164, %dma_wait3A_165] : memref<10240x128xf32, #tpu.memory_space<vmem_shared>> -> memref<10240x128xf32, #tpu.memory_space<vmem_shared>>
        tpu.wait_indirect_dma semaphore(%run_scoped3A : memref<!tpu.dma_semaphore, #tpu.memory_space<semaphore_mem>>) src(%arg15 : memref<128x128xf32, #tpu.memory_space<vmem>>) dst(%dma_wait3A_166 : memref<10240x128xf32, #tpu.memory_space<vmem_shared>>)
        tpu.yield
      }) : () -> ()
      "tpu.region"() ({
        %run_scoped3A = tpu.sem_alloc : memref<!tpu.dma_semaphore, #tpu.memory_space<semaphore_mem>>
        %dma_start3A_161 = arith.constant 0 : i32
        %dma_start3A_162 = tpu.memref_slice %arg26[%dma_start3A_161] : memref<10240xf32, #tpu.memory_space<vmem_shared>> -> memref<10240xf32, #tpu.memory_space<vmem_shared>>
        tpu.enqueue_indirect_dma source(%arg17 : memref<128xf32, #tpu.memory_space<vmem>>) target(%dma_start3A_162 : memref<10240xf32, #tpu.memory_space<vmem_shared>>) offsets(%arg13 : memref<128xi32, #tpu.memory_space<vmem>>) semaphore(%run_scoped3A : memref<!tpu.dma_semaphore, #tpu.memory_space<semaphore_mem>>) {add = true}
        %dma_wait3A_163 = arith.constant 0 : i32
        %dma_wait3A_164 = tpu.memref_slice %arg26[%dma_wait3A_163] : memref<10240xf32, #tpu.memory_space<vmem_shared>> -> memref<10240xf32, #tpu.memory_space<vmem_shared>>
        tpu.wait_indirect_dma semaphore(%run_scoped3A : memref<!tpu.dma_semaphore, #tpu.memory_space<semaphore_mem>>) src(%arg17 : memref<128xf32, #tpu.memory_space<vmem>>) dst(%dma_wait3A_164 : memref<10240xf32, #tpu.memory_space<vmem_shared>>)
        tpu.yield
      }) : () -> ()
      "tpu.region"() ({
        %run_scoped3A = tpu.sem_alloc : memref<!tpu.dma_semaphore, #tpu.memory_space<semaphore_mem>>
        %dma_start3A_161 = arith.constant 0 : i32
        %dma_start3A_162 = tpu.memref_slice %arg27[%dma_start3A_161] : memref<10240xf32, #tpu.memory_space<vmem_shared>> -> memref<10240xf32, #tpu.memory_space<vmem_shared>>
        tpu.enqueue_indirect_dma source(%arg18 : memref<128xf32, #tpu.memory_space<vmem>>) target(%dma_start3A_162 : memref<10240xf32, #tpu.memory_space<vmem_shared>>) offsets(%arg13 : memref<128xi32, #tpu.memory_space<vmem>>) semaphore(%run_scoped3A : memref<!tpu.dma_semaphore, #tpu.memory_space<semaphore_mem>>) {add = true}
        %dma_wait3A_163 = arith.constant 0 : i32
        %dma_wait3A_164 = tpu.memref_slice %arg27[%dma_wait3A_163] : memref<10240xf32, #tpu.memory_space<vmem_shared>> -> memref<10240xf32, #tpu.memory_space<vmem_shared>>
        tpu.wait_indirect_dma semaphore(%run_scoped3A : memref<!tpu.dma_semaphore, #tpu.memory_space<semaphore_mem>>) src(%arg18 : memref<128xf32, #tpu.memory_space<vmem>>) dst(%dma_wait3A_164 : memref<10240xf32, #tpu.memory_space<vmem_shared>>)
        tpu.yield
      }) : () -> ()
      "tpu.region"() ({
        %run_scoped3A = tpu.sem_alloc : memref<!tpu.dma_semaphore, #tpu.memory_space<semaphore_mem>>
        %dma_start3A_161 = arith.constant 0 : i32
        %dma_start3A_162 = tpu.memref_slice %arg28[%dma_start3A_161] : memref<10240xf32, #tpu.memory_space<vmem_shared>> -> memref<10240xf32, #tpu.memory_space<vmem_shared>>
        tpu.enqueue_indirect_dma source(%arg19 : memref<128xf32, #tpu.memory_space<vmem>>) target(%dma_start3A_162 : memref<10240xf32, #tpu.memory_space<vmem_shared>>) offsets(%arg13 : memref<128xi32, #tpu.memory_space<vmem>>) semaphore(%run_scoped3A : memref<!tpu.dma_semaphore, #tpu.memory_space<semaphore_mem>>) {add = true}
        %dma_wait3A_163 = arith.constant 0 : i32
        %dma_wait3A_164 = tpu.memref_slice %arg28[%dma_wait3A_163] : memref<10240xf32, #tpu.memory_space<vmem_shared>> -> memref<10240xf32, #tpu.memory_space<vmem_shared>>
        tpu.wait_indirect_dma semaphore(%run_scoped3A : memref<!tpu.dma_semaphore, #tpu.memory_space<semaphore_mem>>) src(%arg19 : memref<128xf32, #tpu.memory_space<vmem>>) dst(%dma_wait3A_164 : memref<10240xf32, #tpu.memory_space<vmem_shared>>)
        tpu.yield
      }) : () -> ()
      %dma_wait3A_119 = arith.constant 0 : i32
      %dma_wait3A_120 = tpu.memref_slice %arg2[%dma_wait3A_119] : memref<320000xi32, #tpu.memory_space<hbm>> -> memref<128xi32, #tpu.memory_space<hbm>>
      %dma_wait3A_121 = arith.constant 0 : i32
      %dma_wait3A_122 = tpu.memref_slice %arg2[%dma_wait3A_121] : memref<320000xi32, #tpu.memory_space<hbm>> -> memref<128xi32, #tpu.memory_space<hbm>>
      tpu.wait_dma2 semaphore(%arg24 : memref<!tpu.dma_semaphore, #tpu.memory_space<semaphore_mem>>) src(%dma_wait3A_122 : memref<128xi32, #tpu.memory_space<hbm>>) dst(%arg14 : memref<128xi32, #tpu.memory_space<vmem>>)
      %dma_wait3A_123 = arith.constant 0 : i32
      %dma_wait3A_124 = arith.constant 0 : i32
      %dma_wait3A_125 = tpu.memref_slice %arg3[%dma_wait3A_123, %dma_wait3A_124] : memref<320000x128xf32, #tpu.memory_space<hbm>> -> memref<128x128xf32, #tpu.memory_space<hbm>>
      %dma_wait3A_126 = arith.constant 0 : i32
      %dma_wait3A_127 = arith.constant 0 : i32
      %dma_wait3A_128 = tpu.memref_slice %arg3[%dma_wait3A_126, %dma_wait3A_127] : memref<320000x128xf32, #tpu.memory_space<hbm>> -> memref<128x128xf32, #tpu.memory_space<hbm>>
      tpu.wait_dma2 semaphore(%arg24 : memref<!tpu.dma_semaphore, #tpu.memory_space<semaphore_mem>>) src(%dma_wait3A_128 : memref<128x128xf32, #tpu.memory_space<hbm>>) dst(%arg16 : memref<128x128xf32, #tpu.memory_space<vmem>>)
      %dma_wait3A_129 = arith.constant 0 : i32
      %dma_wait3A_130 = tpu.memref_slice %arg4[%dma_wait3A_129] : memref<320000xf32, #tpu.memory_space<hbm>> -> memref<128xf32, #tpu.memory_space<hbm>>
      %dma_wait3A_131 = arith.constant 0 : i32
      %dma_wait3A_132 = tpu.memref_slice %arg4[%dma_wait3A_131] : memref<320000xf32, #tpu.memory_space<hbm>> -> memref<128xf32, #tpu.memory_space<hbm>>
      tpu.wait_dma2 semaphore(%arg24 : memref<!tpu.dma_semaphore, #tpu.memory_space<semaphore_mem>>) src(%dma_wait3A_132 : memref<128xf32, #tpu.memory_space<hbm>>) dst(%arg20 : memref<128xf32, #tpu.memory_space<vmem>>)
      %dma_wait3A_133 = arith.constant 0 : i32
      %dma_wait3A_134 = tpu.memref_slice %arg5[%dma_wait3A_133] : memref<320000xf32, #tpu.memory_space<hbm>> -> memref<128xf32, #tpu.memory_space<hbm>>
      %dma_wait3A_135 = arith.constant 0 : i32
      %dma_wait3A_136 = tpu.memref_slice %arg5[%dma_wait3A_135] : memref<320000xf32, #tpu.memory_space<hbm>> -> memref<128xf32, #tpu.memory_space<hbm>>
      tpu.wait_dma2 semaphore(%arg24 : memref<!tpu.dma_semaphore, #tpu.memory_space<semaphore_mem>>) src(%dma_wait3A_136 : memref<128xf32, #tpu.memory_space<hbm>>) dst(%arg21 : memref<128xf32, #tpu.memory_space<vmem>>)
      %dma_wait3A_137 = arith.constant 0 : i32
      %dma_wait3A_138 = tpu.memref_slice %arg6[%dma_wait3A_137] : memref<320000xf32, #tpu.memory_space<hbm>> -> memref<128xf32, #tpu.memory_space<hbm>>
      %dma_wait3A_139 = arith.constant 0 : i32
      %dma_wait3A_140 = tpu.memref_slice %arg6[%dma_wait3A_139] : memref<320000xf32, #tpu.memory_space<hbm>> -> memref<128xf32, #tpu.memory_space<hbm>>
      tpu.wait_dma2 semaphore(%arg24 : memref<!tpu.dma_semaphore, #tpu.memory_space<semaphore_mem>>) src(%dma_wait3A_140 : memref<128xf32, #tpu.memory_space<hbm>>) dst(%arg22 : memref<128xf32, #tpu.memory_space<vmem>>)
      %add3A_141 = arith.constant 1 : i32
      %add3A_142 = arith.addi %while3A_77, %add3A_141 : i32
      %mul3A_143 = arith.constant 32 : i32
      %mul3A_144 = arith.muli %add3A_142, %mul3A_143 : i32
      %add3A_145 = arith.addi %mul3A_144, %add3A : i32
      %mul3A_146 = arith.constant 256 : i32
      %mul3A_147 = arith.muli %add3A_145, %mul3A_146 : i32
      %min3A = arith.constant 319872 : i32
      %min3A_148 = arith.minsi %mul3A_147, %min3A : i32
      %dma_start3A_149 = tpu.memref_slice %arg2[%min3A_148] : memref<320000xi32, #tpu.memory_space<hbm>> -> memref<128xi32, #tpu.memory_space<hbm>>
      %dma_start3A_150 = tpu.memref_slice %arg2[%min3A_148] : memref<320000xi32, #tpu.memory_space<hbm>> -> memref<128xi32, #tpu.memory_space<hbm>>
      tpu.enqueue_dma source(%dma_start3A_150 : memref<128xi32, #tpu.memory_space<hbm>>) target(%arg13 : memref<128xi32, #tpu.memory_space<vmem>>) target_semaphore(%arg23 : memref<!tpu.dma_semaphore, #tpu.memory_space<semaphore_mem>>)
      %dma_start3A_151 = arith.constant 0 : i32
      %dma_start3A_152 = tpu.memref_slice %arg3[%min3A_148, %dma_start3A_151] : memref<320000x128xf32, #tpu.memory_space<hbm>> -> memref<128x128xf32, #tpu.memory_space<hbm>>
      %dma_start3A_153 = arith.constant 0 : i32
      %dma_start3A_154 = tpu.memref_slice %arg3[%min3A_148, %dma_start3A_153] : memref<320000x128xf32, #tpu.memory_space<hbm>> -> memref<128x128xf32, #tpu.memory_space<hbm>>
      tpu.enqueue_dma source(%dma_start3A_154 : memref<128x128xf32, #tpu.memory_space<hbm>>) target(%arg15 : memref<128x128xf32, #tpu.memory_space<vmem>>) target_semaphore(%arg23 : memref<!tpu.dma_semaphore, #tpu.memory_space<semaphore_mem>>)
      %dma_start3A_155 = tpu.memref_slice %arg4[%min3A_148] : memref<320000xf32, #tpu.memory_space<hbm>> -> memref<128xf32, #tpu.memory_space<hbm>>
      %dma_start3A_156 = tpu.memref_slice %arg4[%min3A_148] : memref<320000xf32, #tpu.memory_space<hbm>> -> memref<128xf32, #tpu.memory_space<hbm>>
      tpu.enqueue_dma source(%dma_start3A_156 : memref<128xf32, #tpu.memory_space<hbm>>) target(%arg17 : memref<128xf32, #tpu.memory_space<vmem>>) target_semaphore(%arg23 : memref<!tpu.dma_semaphore, #tpu.memory_space<semaphore_mem>>)
      %dma_start3A_157 = tpu.memref_slice %arg5[%min3A_148] : memref<320000xf32, #tpu.memory_space<hbm>> -> memref<128xf32, #tpu.memory_space<hbm>>
      %dma_start3A_158 = tpu.memref_slice %arg5[%min3A_148] : memref<320000xf32, #tpu.memory_space<hbm>> -> memref<128xf32, #tpu.memory_space<hbm>>
      tpu.enqueue_dma source(%dma_start3A_158 : memref<128xf32, #tpu.memory_space<hbm>>) target(%arg18 : memref<128xf32, #tpu.memory_space<vmem>>) target_semaphore(%arg23 : memref<!tpu.dma_semaphore, #tpu.memory_space<semaphore_mem>>)
      %dma_start3A_159 = tpu.memref_slice %arg6[%min3A_148] : memref<320000xf32, #tpu.memory_space<hbm>> -> memref<128xf32, #tpu.memory_space<hbm>>
      %dma_start3A_160 = tpu.memref_slice %arg6[%min3A_148] : memref<320000xf32, #tpu.memory_space<hbm>> -> memref<128xf32, #tpu.memory_space<hbm>>
      tpu.enqueue_dma source(%dma_start3A_160 : memref<128xf32, #tpu.memory_space<hbm>>) target(%arg19 : memref<128xf32, #tpu.memory_space<vmem>>) target_semaphore(%arg23 : memref<!tpu.dma_semaphore, #tpu.memory_space<semaphore_mem>>)
      "tpu.region"() ({
        %run_scoped3A = tpu.sem_alloc : memref<!tpu.dma_semaphore, #tpu.memory_space<semaphore_mem>>
        %dma_start3A_161 = arith.constant 0 : i32
        %dma_start3A_162 = arith.constant 0 : i32
        %dma_start3A_163 = tpu.memref_slice %arg25[%dma_start3A_161, %dma_start3A_162] : memref<10240x128xf32, #tpu.memory_space<vmem_shared>> -> memref<10240x128xf32, #tpu.memory_space<vmem_shared>>
        tpu.enqueue_indirect_dma source(%arg16 : memref<128x128xf32, #tpu.memory_space<vmem>>) target(%dma_start3A_163 : memref<10240x128xf32, #tpu.memory_space<vmem_shared>>) offsets(%arg14 : memref<128xi32, #tpu.memory_space<vmem>>) semaphore(%run_scoped3A : memref<!tpu.dma_semaphore, #tpu.memory_space<semaphore_mem>>) {add = true}
        %dma_wait3A_164 = arith.constant 0 : i32
        %dma_wait3A_165 = arith.constant 0 : i32
        %dma_wait3A_166 = tpu.memref_slice %arg25[%dma_wait3A_164, %dma_wait3A_165] : memref<10240x128xf32, #tpu.memory_space<vmem_shared>> -> memref<10240x128xf32, #tpu.memory_space<vmem_shared>>
        tpu.wait_indirect_dma semaphore(%run_scoped3A : memref<!tpu.dma_semaphore, #tpu.memory_space<semaphore_mem>>) src(%arg16 : memref<128x128xf32, #tpu.memory_space<vmem>>) dst(%dma_wait3A_166 : memref<10240x128xf32, #tpu.memory_space<vmem_shared>>)
        tpu.yield
      }) : () -> ()
      "tpu.region"() ({
        %run_scoped3A = tpu.sem_alloc : memref<!tpu.dma_semaphore, #tpu.memory_space<semaphore_mem>>
        %dma_start3A_161 = arith.constant 0 : i32
        %dma_start3A_162 = tpu.memref_slice %arg26[%dma_start3A_161] : memref<10240xf32, #tpu.memory_space<vmem_shared>> -> memref<10240xf32, #tpu.memory_space<vmem_shared>>
        tpu.enqueue_indirect_dma source(%arg20 : memref<128xf32, #tpu.memory_space<vmem>>) target(%dma_start3A_162 : memref<10240xf32, #tpu.memory_space<vmem_shared>>) offsets(%arg14 : memref<128xi32, #tpu.memory_space<vmem>>) semaphore(%run_scoped3A : memref<!tpu.dma_semaphore, #tpu.memory_space<semaphore_mem>>) {add = true}
        %dma_wait3A_163 = arith.constant 0 : i32
        %dma_wait3A_164 = tpu.memref_slice %arg26[%dma_wait3A_163] : memref<10240xf32, #tpu.memory_space<vmem_shared>> -> memref<10240xf32, #tpu.memory_space<vmem_shared>>
        tpu.wait_indirect_dma semaphore(%run_scoped3A : memref<!tpu.dma_semaphore, #tpu.memory_space<semaphore_mem>>) src(%arg20 : memref<128xf32, #tpu.memory_space<vmem>>) dst(%dma_wait3A_164 : memref<10240xf32, #tpu.memory_space<vmem_shared>>)
        tpu.yield
      }) : () -> ()
      "tpu.region"() ({
        %run_scoped3A = tpu.sem_alloc : memref<!tpu.dma_semaphore, #tpu.memory_space<semaphore_mem>>
        %dma_start3A_161 = arith.constant 0 : i32
        %dma_start3A_162 = tpu.memref_slice %arg27[%dma_start3A_161] : memref<10240xf32, #tpu.memory_space<vmem_shared>> -> memref<10240xf32, #tpu.memory_space<vmem_shared>>
        tpu.enqueue_indirect_dma source(%arg21 : memref<128xf32, #tpu.memory_space<vmem>>) target(%dma_start3A_162 : memref<10240xf32, #tpu.memory_space<vmem_shared>>) offsets(%arg14 : memref<128xi32, #tpu.memory_space<vmem>>) semaphore(%run_scoped3A : memref<!tpu.dma_semaphore, #tpu.memory_space<semaphore_mem>>) {add = true}
        %dma_wait3A_163 = arith.constant 0 : i32
        %dma_wait3A_164 = tpu.memref_slice %arg27[%dma_wait3A_163] : memref<10240xf32, #tpu.memory_space<vmem_shared>> -> memref<10240xf32, #tpu.memory_space<vmem_shared>>
        tpu.wait_indirect_dma semaphore(%run_scoped3A : memref<!tpu.dma_semaphore, #tpu.memory_space<semaphore_mem>>) src(%arg21 : memref<128xf32, #tpu.memory_space<vmem>>) dst(%dma_wait3A_164 : memref<10240xf32, #tpu.memory_space<vmem_shared>>)
        tpu.yield
      }) : () -> ()
      "tpu.region"() ({
        %run_scoped3A = tpu.sem_alloc : memref<!tpu.dma_semaphore, #tpu.memory_space<semaphore_mem>>
        %dma_start3A_161 = arith.constant 0 : i32
        %dma_start3A_162 = tpu.memref_slice %arg28[%dma_start3A_161] : memref<10240xf32, #tpu.memory_space<vmem_shared>> -> memref<10240xf32, #tpu.memory_space<vmem_shared>>
        tpu.enqueue_indirect_dma source(%arg22 : memref<128xf32, #tpu.memory_space<vmem>>) target(%dma_start3A_162 : memref<10240xf32, #tpu.memory_space<vmem_shared>>) offsets(%arg14 : memref<128xi32, #tpu.memory_space<vmem>>) semaphore(%run_scoped3A : memref<!tpu.dma_semaphore, #tpu.memory_space<semaphore_mem>>) {add = true}
        %dma_wait3A_163 = arith.constant 0 : i32
        %dma_wait3A_164 = tpu.memref_slice %arg28[%dma_wait3A_163] : memref<10240xf32, #tpu.memory_space<vmem_shared>> -> memref<10240xf32, #tpu.memory_space<vmem_shared>>
        tpu.wait_indirect_dma semaphore(%run_scoped3A : memref<!tpu.dma_semaphore, #tpu.memory_space<semaphore_mem>>) src(%arg22 : memref<128xf32, #tpu.memory_space<vmem>>) dst(%dma_wait3A_164 : memref<10240xf32, #tpu.memory_space<vmem_shared>>)
        tpu.yield
      }) : () -> ()
    }
    %while3A_42 = arith.constant 1 : i32
    scf.for %while3A_77 = %while3A_40 to %while3A_36 step %while3A_42  : i32 {
      %mul3A_78 = arith.constant 32 : i32
      %mul3A_79 = arith.muli %while3A_77, %mul3A_78 : i32
      %add3A_80 = arith.addi %mul3A_79, %add3A : i32
      %mul3A_81 = arith.constant 256 : i32
      %mul3A_82 = arith.muli %add3A_80, %mul3A_81 : i32
      %dma_wait3A_83 = arith.constant 0 : i32
      %dma_wait3A_84 = tpu.memref_slice %arg2[%dma_wait3A_83] : memref<320000xi32, #tpu.memory_space<hbm>> -> memref<128xi32, #tpu.memory_space<hbm>>
      %dma_wait3A_85 = arith.constant 0 : i32
      %dma_wait3A_86 = tpu.memref_slice %arg2[%dma_wait3A_85] : memref<320000xi32, #tpu.memory_space<hbm>> -> memref<128xi32, #tpu.memory_space<hbm>>
      tpu.wait_dma2 semaphore(%arg23 : memref<!tpu.dma_semaphore, #tpu.memory_space<semaphore_mem>>) src(%dma_wait3A_86 : memref<128xi32, #tpu.memory_space<hbm>>) dst(%arg13 : memref<128xi32, #tpu.memory_space<vmem>>)
      %dma_wait3A_87 = arith.constant 0 : i32
      %dma_wait3A_88 = arith.constant 0 : i32
      %dma_wait3A_89 = tpu.memref_slice %arg3[%dma_wait3A_87, %dma_wait3A_88] : memref<320000x128xf32, #tpu.memory_space<hbm>> -> memref<128x128xf32, #tpu.memory_space<hbm>>
      %dma_wait3A_90 = arith.constant 0 : i32
      %dma_wait3A_91 = arith.constant 0 : i32
      %dma_wait3A_92 = tpu.memref_slice %arg3[%dma_wait3A_90, %dma_wait3A_91] : memref<320000x128xf32, #tpu.memory_space<hbm>> -> memref<128x128xf32, #tpu.memory_space<hbm>>
      tpu.wait_dma2 semaphore(%arg23 : memref<!tpu.dma_semaphore, #tpu.memory_space<semaphore_mem>>) src(%dma_wait3A_92 : memref<128x128xf32, #tpu.memory_space<hbm>>) dst(%arg15 : memref<128x128xf32, #tpu.memory_space<vmem>>)
      %dma_wait3A_93 = arith.constant 0 : i32
      %dma_wait3A_94 = tpu.memref_slice %arg4[%dma_wait3A_93] : memref<320000xf32, #tpu.memory_space<hbm>> -> memref<128xf32, #tpu.memory_space<hbm>>
      %dma_wait3A_95 = arith.constant 0 : i32
      %dma_wait3A_96 = tpu.memref_slice %arg4[%dma_wait3A_95] : memref<320000xf32, #tpu.memory_space<hbm>> -> memref<128xf32, #tpu.memory_space<hbm>>
      tpu.wait_dma2 semaphore(%arg23 : memref<!tpu.dma_semaphore, #tpu.memory_space<semaphore_mem>>) src(%dma_wait3A_96 : memref<128xf32, #tpu.memory_space<hbm>>) dst(%arg17 : memref<128xf32, #tpu.memory_space<vmem>>)
      %dma_wait3A_97 = arith.constant 0 : i32
      %dma_wait3A_98 = tpu.memref_slice %arg5[%dma_wait3A_97] : memref<320000xf32, #tpu.memory_space<hbm>> -> memref<128xf32, #tpu.memory_space<hbm>>
      %dma_wait3A_99 = arith.constant 0 : i32
      %dma_wait3A_100 = tpu.memref_slice %arg5[%dma_wait3A_99] : memref<320000xf32, #tpu.memory_space<hbm>> -> memref<128xf32, #tpu.memory_space<hbm>>
      tpu.wait_dma2 semaphore(%arg23 : memref<!tpu.dma_semaphore, #tpu.memory_space<semaphore_mem>>) src(%dma_wait3A_100 : memref<128xf32, #tpu.memory_space<hbm>>) dst(%arg18 : memref<128xf32, #tpu.memory_space<vmem>>)
      %dma_wait3A_101 = arith.constant 0 : i32
      %dma_wait3A_102 = tpu.memref_slice %arg6[%dma_wait3A_101] : memref<320000xf32, #tpu.memory_space<hbm>> -> memref<128xf32, #tpu.memory_space<hbm>>
      %dma_wait3A_103 = arith.constant 0 : i32
      %dma_wait3A_104 = tpu.memref_slice %arg6[%dma_wait3A_103] : memref<320000xf32, #tpu.memory_space<hbm>> -> memref<128xf32, #tpu.memory_space<hbm>>
      tpu.wait_dma2 semaphore(%arg23 : memref<!tpu.dma_semaphore, #tpu.memory_space<semaphore_mem>>) src(%dma_wait3A_104 : memref<128xf32, #tpu.memory_space<hbm>>) dst(%arg19 : memref<128xf32, #tpu.memory_space<vmem>>)
      %add3A_105 = arith.constant 128 : i32
      %add3A_106 = arith.addi %mul3A_82, %add3A_105 : i32
      %dma_start3A_107 = tpu.memref_slice %arg2[%add3A_106] : memref<320000xi32, #tpu.memory_space<hbm>> -> memref<128xi32, #tpu.memory_space<hbm>>
      %dma_start3A_108 = tpu.memref_slice %arg2[%add3A_106] : memref<320000xi32, #tpu.memory_space<hbm>> -> memref<128xi32, #tpu.memory_space<hbm>>
      tpu.enqueue_dma source(%dma_start3A_108 : memref<128xi32, #tpu.memory_space<hbm>>) target(%arg14 : memref<128xi32, #tpu.memory_space<vmem>>) target_semaphore(%arg24 : memref<!tpu.dma_semaphore, #tpu.memory_space<semaphore_mem>>)
      %dma_start3A_109 = arith.constant 0 : i32
      %dma_start3A_110 = tpu.memref_slice %arg3[%add3A_106, %dma_start3A_109] : memref<320000x128xf32, #tpu.memory_space<hbm>> -> memref<128x128xf32, #tpu.memory_space<hbm>>
      %dma_start3A_111 = arith.constant 0 : i32
      %dma_start3A_112 = tpu.memref_slice %arg3[%add3A_106, %dma_start3A_111] : memref<320000x128xf32, #tpu.memory_space<hbm>> -> memref<128x128xf32, #tpu.memory_space<hbm>>
      tpu.enqueue_dma source(%dma_start3A_112 : memref<128x128xf32, #tpu.memory_space<hbm>>) target(%arg16 : memref<128x128xf32, #tpu.memory_space<vmem>>) target_semaphore(%arg24 : memref<!tpu.dma_semaphore, #tpu.memory_space<semaphore_mem>>)
      %dma_start3A_113 = tpu.memref_slice %arg4[%add3A_106] : memref<320000xf32, #tpu.memory_space<hbm>> -> memref<128xf32, #tpu.memory_space<hbm>>
      %dma_start3A_114 = tpu.memref_slice %arg4[%add3A_106] : memref<320000xf32, #tpu.memory_space<hbm>> -> memref<128xf32, #tpu.memory_space<hbm>>
      tpu.enqueue_dma source(%dma_start3A_114 : memref<128xf32, #tpu.memory_space<hbm>>) target(%arg20 : memref<128xf32, #tpu.memory_space<vmem>>) target_semaphore(%arg24 : memref<!tpu.dma_semaphore, #tpu.memory_space<semaphore_mem>>)
      %dma_start3A_115 = tpu.memref_slice %arg5[%add3A_106] : memref<320000xf32, #tpu.memory_space<hbm>> -> memref<128xf32, #tpu.memory_space<hbm>>
      %dma_start3A_116 = tpu.memref_slice %arg5[%add3A_106] : memref<320000xf32, #tpu.memory_space<hbm>> -> memref<128xf32, #tpu.memory_space<hbm>>
      tpu.enqueue_dma source(%dma_start3A_116 : memref<128xf32, #tpu.memory_space<hbm>>) target(%arg21 : memref<128xf32, #tpu.memory_space<vmem>>) target_semaphore(%arg24 : memref<!tpu.dma_semaphore, #tpu.memory_space<semaphore_mem>>)
      %dma_start3A_117 = tpu.memref_slice %arg6[%add3A_106] : memref<320000xf32, #tpu.memory_space<hbm>> -> memref<128xf32, #tpu.memory_space<hbm>>
      %dma_start3A_118 = tpu.memref_slice %arg6[%add3A_106] : memref<320000xf32, #tpu.memory_space<hbm>> -> memref<128xf32, #tpu.memory_space<hbm>>
      tpu.enqueue_dma source(%dma_start3A_118 : memref<128xf32, #tpu.memory_space<hbm>>) target(%arg22 : memref<128xf32, #tpu.memory_space<vmem>>) target_semaphore(%arg24 : memref<!tpu.dma_semaphore, #tpu.memory_space<semaphore_mem>>)
      "tpu.region"() ({
        %run_scoped3A = tpu.sem_alloc : memref<!tpu.dma_semaphore, #tpu.memory_space<semaphore_mem>>
        %dma_start3A_161 = arith.constant 0 : i32
        %dma_start3A_162 = arith.constant 0 : i32
        %dma_start3A_163 = tpu.memref_slice %arg25[%dma_start3A_161, %dma_start3A_162] : memref<10240x128xf32, #tpu.memory_space<vmem_shared>> -> memref<10240x128xf32, #tpu.memory_space<vmem_shared>>
        tpu.enqueue_indirect_dma source(%arg15 : memref<128x128xf32, #tpu.memory_space<vmem>>) target(%dma_start3A_163 : memref<10240x128xf32, #tpu.memory_space<vmem_shared>>) offsets(%arg13 : memref<128xi32, #tpu.memory_space<vmem>>) semaphore(%run_scoped3A : memref<!tpu.dma_semaphore, #tpu.memory_space<semaphore_mem>>) {add = true}
        %dma_wait3A_164 = arith.constant 0 : i32
        %dma_wait3A_165 = arith.constant 0 : i32
        %dma_wait3A_166 = tpu.memref_slice %arg25[%dma_wait3A_164, %dma_wait3A_165] : memref<10240x128xf32, #tpu.memory_space<vmem_shared>> -> memref<10240x128xf32, #tpu.memory_space<vmem_shared>>
        tpu.wait_indirect_dma semaphore(%run_scoped3A : memref<!tpu.dma_semaphore, #tpu.memory_space<semaphore_mem>>) src(%arg15 : memref<128x128xf32, #tpu.memory_space<vmem>>) dst(%dma_wait3A_166 : memref<10240x128xf32, #tpu.memory_space<vmem_shared>>)
        tpu.yield
      }) : () -> ()
      "tpu.region"() ({
        %run_scoped3A = tpu.sem_alloc : memref<!tpu.dma_semaphore, #tpu.memory_space<semaphore_mem>>
        %dma_start3A_161 = arith.constant 0 : i32
        %dma_start3A_162 = tpu.memref_slice %arg26[%dma_start3A_161] : memref<10240xf32, #tpu.memory_space<vmem_shared>> -> memref<10240xf32, #tpu.memory_space<vmem_shared>>
        tpu.enqueue_indirect_dma source(%arg17 : memref<128xf32, #tpu.memory_space<vmem>>) target(%dma_start3A_162 : memref<10240xf32, #tpu.memory_space<vmem_shared>>) offsets(%arg13 : memref<128xi32, #tpu.memory_space<vmem>>) semaphore(%run_scoped3A : memref<!tpu.dma_semaphore, #tpu.memory_space<semaphore_mem>>) {add = true}
        %dma_wait3A_163 = arith.constant 0 : i32
        %dma_wait3A_164 = tpu.memref_slice %arg26[%dma_wait3A_163] : memref<10240xf32, #tpu.memory_space<vmem_shared>> -> memref<10240xf32, #tpu.memory_space<vmem_shared>>
        tpu.wait_indirect_dma semaphore(%run_scoped3A : memref<!tpu.dma_semaphore, #tpu.memory_space<semaphore_mem>>) src(%arg17 : memref<128xf32, #tpu.memory_space<vmem>>) dst(%dma_wait3A_164 : memref<10240xf32, #tpu.memory_space<vmem_shared>>)
        tpu.yield
      }) : () -> ()
      "tpu.region"() ({
        %run_scoped3A = tpu.sem_alloc : memref<!tpu.dma_semaphore, #tpu.memory_space<semaphore_mem>>
        %dma_start3A_161 = arith.constant 0 : i32
        %dma_start3A_162 = tpu.memref_slice %arg27[%dma_start3A_161] : memref<10240xf32, #tpu.memory_space<vmem_shared>> -> memref<10240xf32, #tpu.memory_space<vmem_shared>>
        tpu.enqueue_indirect_dma source(%arg18 : memref<128xf32, #tpu.memory_space<vmem>>) target(%dma_start3A_162 : memref<10240xf32, #tpu.memory_space<vmem_shared>>) offsets(%arg13 : memref<128xi32, #tpu.memory_space<vmem>>) semaphore(%run_scoped3A : memref<!tpu.dma_semaphore, #tpu.memory_space<semaphore_mem>>) {add = true}
        %dma_wait3A_163 = arith.constant 0 : i32
        %dma_wait3A_164 = tpu.memref_slice %arg27[%dma_wait3A_163] : memref<10240xf32, #tpu.memory_space<vmem_shared>> -> memref<10240xf32, #tpu.memory_space<vmem_shared>>
        tpu.wait_indirect_dma semaphore(%run_scoped3A : memref<!tpu.dma_semaphore, #tpu.memory_space<semaphore_mem>>) src(%arg18 : memref<128xf32, #tpu.memory_space<vmem>>) dst(%dma_wait3A_164 : memref<10240xf32, #tpu.memory_space<vmem_shared>>)
        tpu.yield
      }) : () -> ()
      "tpu.region"() ({
        %run_scoped3A = tpu.sem_alloc : memref<!tpu.dma_semaphore, #tpu.memory_space<semaphore_mem>>
        %dma_start3A_161 = arith.constant 0 : i32
        %dma_start3A_162 = tpu.memref_slice %arg28[%dma_start3A_161] : memref<10240xf32, #tpu.memory_space<vmem_shared>> -> memref<10240xf32, #tpu.memory_space<vmem_shared>>
        tpu.enqueue_indirect_dma source(%arg19 : memref<128xf32, #tpu.memory_space<vmem>>) target(%dma_start3A_162 : memref<10240xf32, #tpu.memory_space<vmem_shared>>) offsets(%arg13 : memref<128xi32, #tpu.memory_space<vmem>>) semaphore(%run_scoped3A : memref<!tpu.dma_semaphore, #tpu.memory_space<semaphore_mem>>) {add = true}
        %dma_wait3A_163 = arith.constant 0 : i32
        %dma_wait3A_164 = tpu.memref_slice %arg28[%dma_wait3A_163] : memref<10240xf32, #tpu.memory_space<vmem_shared>> -> memref<10240xf32, #tpu.memory_space<vmem_shared>>
        tpu.wait_indirect_dma semaphore(%run_scoped3A : memref<!tpu.dma_semaphore, #tpu.memory_space<semaphore_mem>>) src(%arg19 : memref<128xf32, #tpu.memory_space<vmem>>) dst(%dma_wait3A_164 : memref<10240xf32, #tpu.memory_space<vmem_shared>>)
        tpu.yield
      }) : () -> ()
      %dma_wait3A_119 = arith.constant 0 : i32
      %dma_wait3A_120 = tpu.memref_slice %arg2[%dma_wait3A_119] : memref<320000xi32, #tpu.memory_space<hbm>> -> memref<128xi32, #tpu.memory_space<hbm>>
      %dma_wait3A_121 = arith.constant 0 : i32
      %dma_wait3A_122 = tpu.memref_slice %arg2[%dma_wait3A_121] : memref<320000xi32, #tpu.memory_space<hbm>> -> memref<128xi32, #tpu.memory_space<hbm>>
      tpu.wait_dma2 semaphore(%arg24 : memref<!tpu.dma_semaphore, #tpu.memory_space<semaphore_mem>>) src(%dma_wait3A_122 : memref<128xi32, #tpu.memory_space<hbm>>) dst(%arg14 : memref<128xi32, #tpu.memory_space<vmem>>)
      %dma_wait3A_123 = arith.constant 0 : i32
      %dma_wait3A_124 = arith.constant 0 : i32
      %dma_wait3A_125 = tpu.memref_slice %arg3[%dma_wait3A_123, %dma_wait3A_124] : memref<320000x128xf32, #tpu.memory_space<hbm>> -> memref<128x128xf32, #tpu.memory_space<hbm>>
      %dma_wait3A_126 = arith.constant 0 : i32
      %dma_wait3A_127 = arith.constant 0 : i32
      %dma_wait3A_128 = tpu.memref_slice %arg3[%dma_wait3A_126, %dma_wait3A_127] : memref<320000x128xf32, #tpu.memory_space<hbm>> -> memref<128x128xf32, #tpu.memory_space<hbm>>
      tpu.wait_dma2 semaphore(%arg24 : memref<!tpu.dma_semaphore, #tpu.memory_space<semaphore_mem>>) src(%dma_wait3A_128 : memref<128x128xf32, #tpu.memory_space<hbm>>) dst(%arg16 : memref<128x128xf32, #tpu.memory_space<vmem>>)
      %dma_wait3A_129 = arith.constant 0 : i32
      %dma_wait3A_130 = tpu.memref_slice %arg4[%dma_wait3A_129] : memref<320000xf32, #tpu.memory_space<hbm>> -> memref<128xf32, #tpu.memory_space<hbm>>
      %dma_wait3A_131 = arith.constant 0 : i32
      %dma_wait3A_132 = tpu.memref_slice %arg4[%dma_wait3A_131] : memref<320000xf32, #tpu.memory_space<hbm>> -> memref<128xf32, #tpu.memory_space<hbm>>
      tpu.wait_dma2 semaphore(%arg24 : memref<!tpu.dma_semaphore, #tpu.memory_space<semaphore_mem>>) src(%dma_wait3A_132 : memref<128xf32, #tpu.memory_space<hbm>>) dst(%arg20 : memref<128xf32, #tpu.memory_space<vmem>>)
      %dma_wait3A_133 = arith.constant 0 : i32
      %dma_wait3A_134 = tpu.memref_slice %arg5[%dma_wait3A_133] : memref<320000xf32, #tpu.memory_space<hbm>> -> memref<128xf32, #tpu.memory_space<hbm>>
      %dma_wait3A_135 = arith.constant 0 : i32
      %dma_wait3A_136 = tpu.memref_slice %arg5[%dma_wait3A_135] : memref<320000xf32, #tpu.memory_space<hbm>> -> memref<128xf32, #tpu.memory_space<hbm>>
      tpu.wait_dma2 semaphore(%arg24 : memref<!tpu.dma_semaphore, #tpu.memory_space<semaphore_mem>>) src(%dma_wait3A_136 : memref<128xf32, #tpu.memory_space<hbm>>) dst(%arg21 : memref<128xf32, #tpu.memory_space<vmem>>)
      %dma_wait3A_137 = arith.constant 0 : i32
      %dma_wait3A_138 = tpu.memref_slice %arg6[%dma_wait3A_137] : memref<320000xf32, #tpu.memory_space<hbm>> -> memref<128xf32, #tpu.memory_space<hbm>>
      %dma_wait3A_139 = arith.constant 0 : i32
      %dma_wait3A_140 = tpu.memref_slice %arg6[%dma_wait3A_139] : memref<320000xf32, #tpu.memory_space<hbm>> -> memref<128xf32, #tpu.memory_space<hbm>>
      tpu.wait_dma2 semaphore(%arg24 : memref<!tpu.dma_semaphore, #tpu.memory_space<semaphore_mem>>) src(%dma_wait3A_140 : memref<128xf32, #tpu.memory_space<hbm>>) dst(%arg22 : memref<128xf32, #tpu.memory_space<vmem>>)
      %add3A_141 = arith.constant 1 : i32
      %add3A_142 = arith.addi %while3A_77, %add3A_141 : i32
      %mul3A_143 = arith.constant 32 : i32
      %mul3A_144 = arith.muli %add3A_142, %mul3A_143 : i32
      %add3A_145 = arith.addi %mul3A_144, %add3A : i32
      %mul3A_146 = arith.constant 256 : i32
      %mul3A_147 = arith.muli %add3A_145, %mul3A_146 : i32
      %min3A = arith.constant 319872 : i32
      %min3A_148 = arith.minsi %mul3A_147, %min3A : i32
      %dma_start3A_149 = tpu.memref_slice %arg2[%min3A_148] : memref<320000xi32, #tpu.memory_space<hbm>> -> memref<128xi32, #tpu.memory_space<hbm>>
      %dma_start3A_150 = tpu.memref_slice %arg2[%min3A_148] : memref<320000xi32, #tpu.memory_space<hbm>> -> memref<128xi32, #tpu.memory_space<hbm>>
      tpu.enqueue_dma source(%dma_start3A_150 : memref<128xi32, #tpu.memory_space<hbm>>) target(%arg13 : memref<128xi32, #tpu.memory_space<vmem>>) target_semaphore(%arg23 : memref<!tpu.dma_semaphore, #tpu.memory_space<semaphore_mem>>)
      %dma_start3A_151 = arith.constant 0 : i32
      %dma_start3A_152 = tpu.memref_slice %arg3[%min3A_148, %dma_start3A_151] : memref<320000x128xf32, #tpu.memory_space<hbm>> -> memref<128x128xf32, #tpu.memory_space<hbm>>
      %dma_start3A_153 = arith.constant 0 : i32
      %dma_start3A_154 = tpu.memref_slice %arg3[%min3A_148, %dma_start3A_153] : memref<320000x128xf32, #tpu.memory_space<hbm>> -> memref<128x128xf32, #tpu.memory_space<hbm>>
      tpu.enqueue_dma source(%dma_start3A_154 : memref<128x128xf32, #tpu.memory_space<hbm>>) target(%arg15 : memref<128x128xf32, #tpu.memory_space<vmem>>) target_semaphore(%arg23 : memref<!tpu.dma_semaphore, #tpu.memory_space<semaphore_mem>>)
      %dma_start3A_155 = tpu.memref_slice %arg4[%min3A_148] : memref<320000xf32, #tpu.memory_space<hbm>> -> memref<128xf32, #tpu.memory_space<hbm>>
      %dma_start3A_156 = tpu.memref_slice %arg4[%min3A_148] : memref<320000xf32, #tpu.memory_space<hbm>> -> memref<128xf32, #tpu.memory_space<hbm>>
      tpu.enqueue_dma source(%dma_start3A_156 : memref<128xf32, #tpu.memory_space<hbm>>) target(%arg17 : memref<128xf32, #tpu.memory_space<vmem>>) target_semaphore(%arg23 : memref<!tpu.dma_semaphore, #tpu.memory_space<semaphore_mem>>)
      %dma_start3A_157 = tpu.memref_slice %arg5[%min3A_148] : memref<320000xf32, #tpu.memory_space<hbm>> -> memref<128xf32, #tpu.memory_space<hbm>>
      %dma_start3A_158 = tpu.memref_slice %arg5[%min3A_148] : memref<320000xf32, #tpu.memory_space<hbm>> -> memref<128xf32, #tpu.memory_space<hbm>>
      tpu.enqueue_dma source(%dma_start3A_158 : memref<128xf32, #tpu.memory_space<hbm>>) target(%arg18 : memref<128xf32, #tpu.memory_space<vmem>>) target_semaphore(%arg23 : memref<!tpu.dma_semaphore, #tpu.memory_space<semaphore_mem>>)
      %dma_start3A_159 = tpu.memref_slice %arg6[%min3A_148] : memref<320000xf32, #tpu.memory_space<hbm>> -> memref<128xf32, #tpu.memory_space<hbm>>
      %dma_start3A_160 = tpu.memref_slice %arg6[%min3A_148] : memref<320000xf32, #tpu.memory_space<hbm>> -> memref<128xf32, #tpu.memory_space<hbm>>
      tpu.enqueue_dma source(%dma_start3A_160 : memref<128xf32, #tpu.memory_space<hbm>>) target(%arg19 : memref<128xf32, #tpu.memory_space<vmem>>) target_semaphore(%arg23 : memref<!tpu.dma_semaphore, #tpu.memory_space<semaphore_mem>>)
      "tpu.region"() ({
        %run_scoped3A = tpu.sem_alloc : memref<!tpu.dma_semaphore, #tpu.memory_space<semaphore_mem>>
        %dma_start3A_161 = arith.constant 0 : i32
        %dma_start3A_162 = arith.constant 0 : i32
        %dma_start3A_163 = tpu.memref_slice %arg25[%dma_start3A_161, %dma_start3A_162] : memref<10240x128xf32, #tpu.memory_space<vmem_shared>> -> memref<10240x128xf32, #tpu.memory_space<vmem_shared>>
        tpu.enqueue_indirect_dma source(%arg16 : memref<128x128xf32, #tpu.memory_space<vmem>>) target(%dma_start3A_163 : memref<10240x128xf32, #tpu.memory_space<vmem_shared>>) offsets(%arg14 : memref<128xi32, #tpu.memory_space<vmem>>) semaphore(%run_scoped3A : memref<!tpu.dma_semaphore, #tpu.memory_space<semaphore_mem>>) {add = true}
        %dma_wait3A_164 = arith.constant 0 : i32
        %dma_wait3A_165 = arith.constant 0 : i32
        %dma_wait3A_166 = tpu.memref_slice %arg25[%dma_wait3A_164, %dma_wait3A_165] : memref<10240x128xf32, #tpu.memory_space<vmem_shared>> -> memref<10240x128xf32, #tpu.memory_space<vmem_shared>>
        tpu.wait_indirect_dma semaphore(%run_scoped3A : memref<!tpu.dma_semaphore, #tpu.memory_space<semaphore_mem>>) src(%arg16 : memref<128x128xf32, #tpu.memory_space<vmem>>) dst(%dma_wait3A_166 : memref<10240x128xf32, #tpu.memory_space<vmem_shared>>)
        tpu.yield
      }) : () -> ()
      "tpu.region"() ({
        %run_scoped3A = tpu.sem_alloc : memref<!tpu.dma_semaphore, #tpu.memory_space<semaphore_mem>>
        %dma_start3A_161 = arith.constant 0 : i32
        %dma_start3A_162 = tpu.memref_slice %arg26[%dma_start3A_161] : memref<10240xf32, #tpu.memory_space<vmem_shared>> -> memref<10240xf32, #tpu.memory_space<vmem_shared>>
        tpu.enqueue_indirect_dma source(%arg20 : memref<128xf32, #tpu.memory_space<vmem>>) target(%dma_start3A_162 : memref<10240xf32, #tpu.memory_space<vmem_shared>>) offsets(%arg14 : memref<128xi32, #tpu.memory_space<vmem>>) semaphore(%run_scoped3A : memref<!tpu.dma_semaphore, #tpu.memory_space<semaphore_mem>>) {add = true}
        %dma_wait3A_163 = arith.constant 0 : i32
        %dma_wait3A_164 = tpu.memref_slice %arg26[%dma_wait3A_163] : memref<10240xf32, #tpu.memory_space<vmem_shared>> -> memref<10240xf32, #tpu.memory_space<vmem_shared>>
        tpu.wait_indirect_dma semaphore(%run_scoped3A : memref<!tpu.dma_semaphore, #tpu.memory_space<semaphore_mem>>) src(%arg20 : memref<128xf32, #tpu.memory_space<vmem>>) dst(%dma_wait3A_164 : memref<10240xf32, #tpu.memory_space<vmem_shared>>)
        tpu.yield
      }) : () -> ()
      "tpu.region"() ({
        %run_scoped3A = tpu.sem_alloc : memref<!tpu.dma_semaphore, #tpu.memory_space<semaphore_mem>>
        %dma_start3A_161 = arith.constant 0 : i32
        %dma_start3A_162 = tpu.memref_slice %arg27[%dma_start3A_161] : memref<10240xf32, #tpu.memory_space<vmem_shared>> -> memref<10240xf32, #tpu.memory_space<vmem_shared>>
        tpu.enqueue_indirect_dma source(%arg21 : memref<128xf32, #tpu.memory_space<vmem>>) target(%dma_start3A_162 : memref<10240xf32, #tpu.memory_space<vmem_shared>>) offsets(%arg14 : memref<128xi32, #tpu.memory_space<vmem>>) semaphore(%run_scoped3A : memref<!tpu.dma_semaphore, #tpu.memory_space<semaphore_mem>>) {add = true}
        %dma_wait3A_163 = arith.constant 0 : i32
        %dma_wait3A_164 = tpu.memref_slice %arg27[%dma_wait3A_163] : memref<10240xf32, #tpu.memory_space<vmem_shared>> -> memref<10240xf32, #tpu.memory_space<vmem_shared>>
        tpu.wait_indirect_dma semaphore(%run_scoped3A : memref<!tpu.dma_semaphore, #tpu.memory_space<semaphore_mem>>) src(%arg21 : memref<128xf32, #tpu.memory_space<vmem>>) dst(%dma_wait3A_164 : memref<10240xf32, #tpu.memory_space<vmem_shared>>)
        tpu.yield
      }) : () -> ()
      "tpu.region"() ({
        %run_scoped3A = tpu.sem_alloc : memref<!tpu.dma_semaphore, #tpu.memory_space<semaphore_mem>>
        %dma_start3A_161 = arith.constant 0 : i32
        %dma_start3A_162 = tpu.memref_slice %arg28[%dma_start3A_161] : memref<10240xf32, #tpu.memory_space<vmem_shared>> -> memref<10240xf32, #tpu.memory_space<vmem_shared>>
        tpu.enqueue_indirect_dma source(%arg22 : memref<128xf32, #tpu.memory_space<vmem>>) target(%dma_start3A_162 : memref<10240xf32, #tpu.memory_space<vmem_shared>>) offsets(%arg14 : memref<128xi32, #tpu.memory_space<vmem>>) semaphore(%run_scoped3A : memref<!tpu.dma_semaphore, #tpu.memory_space<semaphore_mem>>) {add = true}
        %dma_wait3A_163 = arith.constant 0 : i32
        %dma_wait3A_164 = tpu.memref_slice %arg28[%dma_wait3A_163] : memref<10240xf32, #tpu.memory_space<vmem_shared>> -> memref<10240xf32, #tpu.memory_space<vmem_shared>>
        tpu.wait_indirect_dma semaphore(%run_scoped3A : memref<!tpu.dma_semaphore, #tpu.memory_space<semaphore_mem>>) src(%arg22 : memref<128xf32, #tpu.memory_space<vmem>>) dst(%dma_wait3A_164 : memref<10240xf32, #tpu.memory_space<vmem_shared>>)
        tpu.yield
      }) : () -> ()
    }
    %dma_wait3A = arith.constant 0 : i32
    %dma_wait3A_43 = tpu.memref_slice %arg2[%dma_wait3A] : memref<320000xi32, #tpu.memory_space<hbm>> -> memref<128xi32, #tpu.memory_space<hbm>>
    %dma_wait3A_44 = arith.constant 0 : i32
    %dma_wait3A_45 = tpu.memref_slice %arg2[%dma_wait3A_44] : memref<320000xi32, #tpu.memory_space<hbm>> -> memref<128xi32, #tpu.memory_space<hbm>>
    tpu.wait_dma2 semaphore(%arg23 : memref<!tpu.dma_semaphore, #tpu.memory_space<semaphore_mem>>) src(%dma_wait3A_45 : memref<128xi32, #tpu.memory_space<hbm>>) dst(%arg13 : memref<128xi32, #tpu.memory_space<vmem>>)
    %dma_wait3A_46 = arith.constant 0 : i32
    %dma_wait3A_47 = arith.constant 0 : i32
    %dma_wait3A_48 = tpu.memref_slice %arg3[%dma_wait3A_46, %dma_wait3A_47] : memref<320000x128xf32, #tpu.memory_space<hbm>> -> memref<128x128xf32, #tpu.memory_space<hbm>>
    %dma_wait3A_49 = arith.constant 0 : i32
    %dma_wait3A_50 = arith.constant 0 : i32
    %dma_wait3A_51 = tpu.memref_slice %arg3[%dma_wait3A_49, %dma_wait3A_50] : memref<320000x128xf32, #tpu.memory_space<hbm>> -> memref<128x128xf32, #tpu.memory_space<hbm>>
    tpu.wait_dma2 semaphore(%arg23 : memref<!tpu.dma_semaphore, #tpu.memory_space<semaphore_mem>>) src(%dma_wait3A_51 : memref<128x128xf32, #tpu.memory_space<hbm>>) dst(%arg15 : memref<128x128xf32, #tpu.memory_space<vmem>>)
    %dma_wait3A_52 = arith.constant 0 : i32
    %dma_wait3A_53 = tpu.memref_slice %arg4[%dma_wait3A_52] : memref<320000xf32, #tpu.memory_space<hbm>> -> memref<128xf32, #tpu.memory_space<hbm>>
    %dma_wait3A_54 = arith.constant 0 : i32
    %dma_wait3A_55 = tpu.memref_slice %arg4[%dma_wait3A_54] : memref<320000xf32, #tpu.memory_space<hbm>> -> memref<128xf32, #tpu.memory_space<hbm>>
    tpu.wait_dma2 semaphore(%arg23 : memref<!tpu.dma_semaphore, #tpu.memory_space<semaphore_mem>>) src(%dma_wait3A_55 : memref<128xf32, #tpu.memory_space<hbm>>) dst(%arg17 : memref<128xf32, #tpu.memory_space<vmem>>)
    %dma_wait3A_56 = arith.constant 0 : i32
    %dma_wait3A_57 = tpu.memref_slice %arg5[%dma_wait3A_56] : memref<320000xf32, #tpu.memory_space<hbm>> -> memref<128xf32, #tpu.memory_space<hbm>>
    %dma_wait3A_58 = arith.constant 0 : i32
    %dma_wait3A_59 = tpu.memref_slice %arg5[%dma_wait3A_58] : memref<320000xf32, #tpu.memory_space<hbm>> -> memref<128xf32, #tpu.memory_space<hbm>>
    tpu.wait_dma2 semaphore(%arg23 : memref<!tpu.dma_semaphore, #tpu.memory_space<semaphore_mem>>) src(%dma_wait3A_59 : memref<128xf32, #tpu.memory_space<hbm>>) dst(%arg18 : memref<128xf32, #tpu.memory_space<vmem>>)
    %dma_wait3A_60 = arith.constant 0 : i32
    %dma_wait3A_61 = tpu.memref_slice %arg6[%dma_wait3A_60] : memref<320000xf32, #tpu.memory_space<hbm>> -> memref<128xf32, #tpu.memory_space<hbm>>
    %dma_wait3A_62 = arith.constant 0 : i32
    %dma_wait3A_63 = tpu.memref_slice %arg6[%dma_wait3A_62] : memref<320000xf32, #tpu.memory_space<hbm>> -> memref<128xf32, #tpu.memory_space<hbm>>
    tpu.wait_dma2 semaphore(%arg23 : memref<!tpu.dma_semaphore, #tpu.memory_space<semaphore_mem>>) src(%dma_wait3A_63 : memref<128xf32, #tpu.memory_space<hbm>>) dst(%arg19 : memref<128xf32, #tpu.memory_space<vmem>>)
    %barrier3A_64 = arith.constant 0 : index
    tpu.barrier barrier_id(%barrier3A_64)
    %mul3A_65 = arith.constant 10240 : i32
    %mul3A_66 = arith.muli %arg0, %mul3A_65 : i32
    %add3A_67 = arith.addi %mul3A_66, %mul3A_2 : i32
    "tpu.region"() ({
      %run_scoped3A = tpu.sem_alloc : memref<!tpu.dma_semaphore, #tpu.memory_space<semaphore_mem>>
      %dma_start3A_77 = arith.constant 0 : i32
      %dma_start3A_78 = tpu.memref_slice %arg9[%add3A_67, %dma_start3A_77] : memref<20480x128xf32, #tpu.memory_space<hbm>> -> memref<640x128xf32, #tpu.memory_space<hbm>>
      %dma_start3A_79 = arith.constant 0 : i32
      %dma_start3A_80 = tpu.memref_slice %arg25[%mul3A_2, %dma_start3A_79] : memref<10240x128xf32, #tpu.memory_space<vmem_shared>> -> memref<640x128xf32, #tpu.memory_space<vmem_shared>>
      tpu.enqueue_dma source(%dma_start3A_80 : memref<640x128xf32, #tpu.memory_space<vmem_shared>>) target(%dma_start3A_78 : memref<640x128xf32, #tpu.memory_space<hbm>>) target_semaphore(%run_scoped3A : memref<!tpu.dma_semaphore, #tpu.memory_space<semaphore_mem>>)
      %dma_wait3A_81 = arith.constant 0 : i32
      %dma_wait3A_82 = tpu.memref_slice %arg9[%add3A_67, %dma_wait3A_81] : memref<20480x128xf32, #tpu.memory_space<hbm>> -> memref<640x128xf32, #tpu.memory_space<hbm>>
      %dma_wait3A_83 = arith.constant 0 : i32
      %dma_wait3A_84 = tpu.memref_slice %arg25[%mul3A_2, %dma_wait3A_83] : memref<10240x128xf32, #tpu.memory_space<vmem_shared>> -> memref<640x128xf32, #tpu.memory_space<vmem_shared>>
      tpu.wait_dma2 semaphore(%run_scoped3A : memref<!tpu.dma_semaphore, #tpu.memory_space<semaphore_mem>>) src(%dma_wait3A_84 : memref<640x128xf32, #tpu.memory_space<vmem_shared>>) dst(%dma_wait3A_82 : memref<640x128xf32, #tpu.memory_space<hbm>>)
      tpu.yield
    }) : () -> ()
    %mul3A_68 = arith.constant 10240 : i32
    %mul3A_69 = arith.muli %arg0, %mul3A_68 : i32
    %add3A_70 = arith.addi %mul3A_69, %mul3A_2 : i32
    "tpu.region"() ({
      %run_scoped3A = tpu.sem_alloc : memref<!tpu.dma_semaphore, #tpu.memory_space<semaphore_mem>>
      %dma_start3A_77 = tpu.memref_slice %arg10[%add3A_70] : memref<20480xf32, #tpu.memory_space<hbm>> -> memref<640xf32, #tpu.memory_space<hbm>>
      %dma_start3A_78 = tpu.memref_slice %arg26[%mul3A_2] : memref<10240xf32, #tpu.memory_space<vmem_shared>> -> memref<640xf32, #tpu.memory_space<vmem_shared>>
      tpu.enqueue_dma source(%dma_start3A_78 : memref<640xf32, #tpu.memory_space<vmem_shared>>) target(%dma_start3A_77 : memref<640xf32, #tpu.memory_space<hbm>>) target_semaphore(%run_scoped3A : memref<!tpu.dma_semaphore, #tpu.memory_space<semaphore_mem>>)
      %dma_wait3A_79 = tpu.memref_slice %arg10[%add3A_70] : memref<20480xf32, #tpu.memory_space<hbm>> -> memref<640xf32, #tpu.memory_space<hbm>>
      %dma_wait3A_80 = tpu.memref_slice %arg26[%mul3A_2] : memref<10240xf32, #tpu.memory_space<vmem_shared>> -> memref<640xf32, #tpu.memory_space<vmem_shared>>
      tpu.wait_dma2 semaphore(%run_scoped3A : memref<!tpu.dma_semaphore, #tpu.memory_space<semaphore_mem>>) src(%dma_wait3A_80 : memref<640xf32, #tpu.memory_space<vmem_shared>>) dst(%dma_wait3A_79 : memref<640xf32, #tpu.memory_space<hbm>>)
      tpu.yield
    }) : () -> ()
    %mul3A_71 = arith.constant 10240 : i32
    %mul3A_72 = arith.muli %arg0, %mul3A_71 : i32
    %add3A_73 = arith.addi %mul3A_72, %mul3A_2 : i32
    "tpu.region"() ({
      %run_scoped3A = tpu.sem_alloc : memref<!tpu.dma_semaphore, #tpu.memory_space<semaphore_mem>>
      %dma_start3A_77 = tpu.memref_slice %arg11[%add3A_73] : memref<20480xf32, #tpu.memory_space<hbm>> -> memref<640xf32, #tpu.memory_space<hbm>>
      %dma_start3A_78 = tpu.memref_slice %arg27[%mul3A_2] : memref<10240xf32, #tpu.memory_space<vmem_shared>> -> memref<640xf32, #tpu.memory_space<vmem_shared>>
      tpu.enqueue_dma source(%dma_start3A_78 : memref<640xf32, #tpu.memory_space<vmem_shared>>) target(%dma_start3A_77 : memref<640xf32, #tpu.memory_space<hbm>>) target_semaphore(%run_scoped3A : memref<!tpu.dma_semaphore, #tpu.memory_space<semaphore_mem>>)
      %dma_wait3A_79 = tpu.memref_slice %arg11[%add3A_73] : memref<20480xf32, #tpu.memory_space<hbm>> -> memref<640xf32, #tpu.memory_space<hbm>>
      %dma_wait3A_80 = tpu.memref_slice %arg27[%mul3A_2] : memref<10240xf32, #tpu.memory_space<vmem_shared>> -> memref<640xf32, #tpu.memory_space<vmem_shared>>
      tpu.wait_dma2 semaphore(%run_scoped3A : memref<!tpu.dma_semaphore, #tpu.memory_space<semaphore_mem>>) src(%dma_wait3A_80 : memref<640xf32, #tpu.memory_space<vmem_shared>>) dst(%dma_wait3A_79 : memref<640xf32, #tpu.memory_space<hbm>>)
      tpu.yield
    }) : () -> ()
    %mul3A_74 = arith.constant 10240 : i32
    %mul3A_75 = arith.muli %arg0, %mul3A_74 : i32
    %add3A_76 = arith.addi %mul3A_75, %mul3A_2 : i32
    "tpu.region"() ({
      %run_scoped3A = tpu.sem_alloc : memref<!tpu.dma_semaphore, #tpu.memory_space<semaphore_mem>>
      %dma_start3A_77 = tpu.memref_slice %arg12[%add3A_76] : memref<20480xf32, #tpu.memory_space<hbm>> -> memref<640xf32, #tpu.memory_space<hbm>>
      %dma_start3A_78 = tpu.memref_slice %arg28[%mul3A_2] : memref<10240xf32, #tpu.memory_space<vmem_shared>> -> memref<640xf32, #tpu.memory_space<vmem_shared>>
      tpu.enqueue_dma source(%dma_start3A_78 : memref<640xf32, #tpu.memory_space<vmem_shared>>) target(%dma_start3A_77 : memref<640xf32, #tpu.memory_space<hbm>>) target_semaphore(%run_scoped3A : memref<!tpu.dma_semaphore, #tpu.memory_space<semaphore_mem>>)
      %dma_wait3A_79 = tpu.memref_slice %arg12[%add3A_76] : memref<20480xf32, #tpu.memory_space<hbm>> -> memref<640xf32, #tpu.memory_space<hbm>>
      %dma_wait3A_80 = tpu.memref_slice %arg28[%mul3A_2] : memref<10240xf32, #tpu.memory_space<vmem_shared>> -> memref<640xf32, #tpu.memory_space<vmem_shared>>
      tpu.wait_dma2 semaphore(%run_scoped3A : memref<!tpu.dma_semaphore, #tpu.memory_space<semaphore_mem>>) src(%dma_wait3A_80 : memref<640xf32, #tpu.memory_space<vmem_shared>>) dst(%dma_wait3A_79 : memref<640xf32, #tpu.memory_space<hbm>>)
      tpu.yield
    }) : () -> ()
    return
  }
}

module attributes {stable_mosaic.version = 14 : i64} {
  func.func @_edge_body(%arg0: i32, %arg1: memref<3200x128xf32, #tpu.memory_space<vmem>>, %arg2: memref<3200x16xf32, #tpu.memory_space<vmem>>, %arg3: memref<1x25x128xf32, #tpu.memory_space<vmem>>, %arg4: memref<1x25x128xf32, #tpu.memory_space<vmem>>, %arg5: memref<1x25x128xf32, #tpu.memory_space<vmem>>, %arg6: memref<1x25x128xf32, #tpu.memory_space<vmem>>, %arg7: memref<16x16xf32, #tpu.memory_space<vmem>>, %arg8: memref<16x128xf32, #tpu.memory_space<vmem>>, %arg9: memref<16x128xf32, #tpu.memory_space<vmem>>, %arg10: memref<128x128xf32, #tpu.memory_space<vmem>>, %arg11: memref<128x128xf32, #tpu.memory_space<vmem>>, %arg12: memref<128x128xf32, #tpu.memory_space<vmem>>, %arg13: memref<128x128xf32, #tpu.memory_space<vmem>>, %arg14: memref<128x1xf32, #tpu.memory_space<vmem>>, %arg15: memref<3200x128xf32, #tpu.memory_space<vmem>>, %arg16: memref<1x25x128xf32, #tpu.memory_space<vmem>>, %arg17: memref<1x25x128xf32, #tpu.memory_space<vmem>>, %arg18: memref<1x25x128xf32, #tpu.memory_space<vmem>>) attributes {dimension_semantics = [#tpu.dimension_semantics<arbitrary>], iteration_bounds = array<i64: 100>, scalar_prefetch = 0 : i64, scratch_operands = 0 : i64, tpu.core_type = #tpu.core_type<tc>, window_params = [{transform_indices = @transform_0, window_bounds = array<i64: 3200, 128>}, {transform_indices = @transform_1, window_bounds = array<i64: 3200, 16>}, {transform_indices = @transform_2, window_bounds = array<i64: 1, 25, 128>}, {transform_indices = @transform_3, window_bounds = array<i64: 1, 25, 128>}, {transform_indices = @transform_4, window_bounds = array<i64: 1, 25, 128>}, {transform_indices = @transform_5, window_bounds = array<i64: 1, 25, 128>}, {pipeline_mode = #tpu.pipeline_mode<synchronous>, transform_indices = @transform_6, window_bounds = array<i64: 16, 16>}, {pipeline_mode = #tpu.pipeline_mode<synchronous>, transform_indices = @transform_7, window_bounds = array<i64: 16, 128>}, {pipeline_mode = #tpu.pipeline_mode<synchronous>, transform_indices = @transform_8, window_bounds = array<i64: 16, 128>}, {pipeline_mode = #tpu.pipeline_mode<synchronous>, transform_indices = @transform_9, window_bounds = array<i64: 128, 128>}, {pipeline_mode = #tpu.pipeline_mode<synchronous>, transform_indices = @transform_10, window_bounds = array<i64: 128, 128>}, {pipeline_mode = #tpu.pipeline_mode<synchronous>, transform_indices = @transform_11, window_bounds = array<i64: 128, 128>}, {pipeline_mode = #tpu.pipeline_mode<synchronous>, transform_indices = @transform_12, window_bounds = array<i64: 128, 128>}, {pipeline_mode = #tpu.pipeline_mode<synchronous>, transform_indices = @transform_13, window_bounds = array<i64: 128, 1>}, {transform_indices = @transform_14, window_bounds = array<i64: 3200, 128>}, {transform_indices = @transform_15, window_bounds = array<i64: 1, 25, 128>}, {transform_indices = @transform_16, window_bounds = array<i64: 1, 25, 128>}, {transform_indices = @transform_17, window_bounds = array<i64: 1, 25, 128>}]} {
    %get3A = arith.constant 0 : index
    %get3A_0 = arith.constant 0 : index
    %get3A_1 = vector.load %arg1[%get3A, %get3A_0] : memref<3200x128xf32, #tpu.memory_space<vmem>>, vector<3200x128xf32>
    %get3A_2 = arith.constant 0 : index
    %get3A_3 = arith.constant 0 : index
    %get3A_4 = vector.load %arg2[%get3A_2, %get3A_3] : memref<3200x16xf32, #tpu.memory_space<vmem>>, vector<3200x16xf32>
    %get3A_5 = arith.constant 0 : index
    %get3A_6 = arith.constant 0 : index
    %get3A_7 = vector.load %arg7[%get3A_5, %get3A_6] : memref<16x16xf32, #tpu.memory_space<vmem>>, vector<16x16xf32>
    %dot_general3A = arith.constant dense<0.000000e+00> : vector<3200x16xf32>
    %dot_general3A_8 = tpu.matmul %get3A_4, %get3A_7, %dot_general3A {dimension_numbers = #tpu.dot_dimension_numbers<[1], [0], [0], [1], [0, 0, 1, 1], [], []>, transpose_lhs_hint = false} : vector<3200x16xf32>, vector<16x16xf32>, vector<3200x16xf32> -> vector<3200x16xf32>
    %get3A_9 = arith.constant 0 : index
    %get3A_10 = arith.constant 0 : index
    %get3A_11 = vector.load %arg8[%get3A_9, %get3A_10] : memref<16x128xf32, #tpu.memory_space<vmem>>, vector<16x128xf32>
    %dot_general3A_12 = arith.constant dense<0.000000e+00> : vector<3200x128xf32>
    %dot_general3A_13 = tpu.matmul %dot_general3A_8, %get3A_11, %dot_general3A_12 {dimension_numbers = #tpu.dot_dimension_numbers<[1], [0], [0], [1], [0, 0, 1, 1], [], []>, transpose_lhs_hint = false} : vector<3200x16xf32>, vector<16x128xf32>, vector<3200x128xf32> -> vector<3200x128xf32>
    %mul3A = arith.mulf %get3A_1, %dot_general3A_13 : vector<3200x128xf32>
    %swap3A = arith.constant 0 : index
    %swap3A_14 = arith.constant 0 : index
    %swap3A_15 = vector.load %arg15[%swap3A, %swap3A_14] : memref<3200x128xf32, #tpu.memory_space<vmem>>, vector<3200x128xf32>
    tpu.vector_store %arg15[%swap3A, %swap3A_14], %mul3A {strides = array<i32>} : memref<3200x128xf32, #tpu.memory_space<vmem>>, vector<3200x128xf32>,
    %get3A_16 = arith.constant 0 : index
    %get3A_17 = arith.constant 0 : index
    %get3A_18 = vector.load %arg10[%get3A_16, %get3A_17] : memref<128x128xf32, #tpu.memory_space<vmem>>, vector<128x128xf32>
    %dot_general3A_19 = arith.constant dense<0.000000e+00> : vector<3200x128xf32>
    %dot_general3A_20 = tpu.matmul %get3A_1, %get3A_18, %dot_general3A_19 {dimension_numbers = #tpu.dot_dimension_numbers<[1], [0], [0], [1], [0, 0, 1, 1], [], []>, transpose_lhs_hint = false} : vector<3200x128xf32>, vector<128x128xf32>, vector<3200x128xf32> -> vector<3200x128xf32>
    %logistic3A = arith.negf %dot_general3A_20 : vector<3200x128xf32>
    %logistic3A_21 = math.exp %logistic3A : vector<3200x128xf32>
    %logistic3A_22 = arith.constant 1.000000e+00 : f32
    %logistic3A_23 = vector.broadcast %logistic3A_22 : f32 to vector<3200x128xf32>
    %logistic3A_24 = arith.addf %logistic3A_23, %logistic3A_21 : vector<3200x128xf32>
    %logistic3A_25 = arith.divf %logistic3A_23, %logistic3A_24 : vector<3200x128xf32>
    %mul3A_26 = arith.mulf %dot_general3A_20, %logistic3A_25 : vector<3200x128xf32>
    %get3A_27 = arith.constant 0 : index
    %get3A_28 = arith.constant 0 : index
    %get3A_29 = vector.load %arg11[%get3A_27, %get3A_28] : memref<128x128xf32, #tpu.memory_space<vmem>>, vector<128x128xf32>
    %dot_general3A_30 = arith.constant dense<0.000000e+00> : vector<3200x128xf32>
    %dot_general3A_31 = tpu.matmul %mul3A_26, %get3A_29, %dot_general3A_30 {dimension_numbers = #tpu.dot_dimension_numbers<[1], [0], [0], [1], [0, 0, 1, 1], [], []>, transpose_lhs_hint = false} : vector<3200x128xf32>, vector<128x128xf32>, vector<3200x128xf32> -> vector<3200x128xf32>
    %logistic3A_32 = arith.negf %dot_general3A_31 : vector<3200x128xf32>
    %logistic3A_33 = math.exp %logistic3A_32 : vector<3200x128xf32>
    %logistic3A_34 = arith.constant 1.000000e+00 : f32
    %logistic3A_35 = vector.broadcast %logistic3A_34 : f32 to vector<3200x128xf32>
    %logistic3A_36 = arith.addf %logistic3A_35, %logistic3A_33 : vector<3200x128xf32>
    %logistic3A_37 = arith.divf %logistic3A_35, %logistic3A_36 : vector<3200x128xf32>
    %mul3A_38 = arith.mulf %dot_general3A_31, %logistic3A_37 : vector<3200x128xf32>
    %add3A = arith.addf %get3A_1, %mul3A_38 : vector<3200x128xf32>
    %mul3A_39 = arith.constant 0.707106769 : f32
    %mul3A_40 = vector.broadcast %mul3A_39 : f32 to vector<3200x128xf32>
    %mul3A_41 = arith.mulf %add3A, %mul3A_40 : vector<3200x128xf32>
    %get3A_42 = arith.constant 0 : index
    %get3A_43 = arith.constant 0 : index
    %get3A_44 = vector.load %arg12[%get3A_42, %get3A_43] : memref<128x128xf32, #tpu.memory_space<vmem>>, vector<128x128xf32>
    %dot_general3A_45 = arith.constant dense<0.000000e+00> : vector<3200x128xf32>
    %dot_general3A_46 = tpu.matmul %mul3A_41, %get3A_44, %dot_general3A_45 {dimension_numbers = #tpu.dot_dimension_numbers<[1], [0], [0], [1], [0, 0, 1, 1], [], []>, transpose_lhs_hint = false} : vector<3200x128xf32>, vector<128x128xf32>, vector<3200x128xf32> -> vector<3200x128xf32>
    %logistic3A_47 = arith.negf %dot_general3A_46 : vector<3200x128xf32>
    %logistic3A_48 = math.exp %logistic3A_47 : vector<3200x128xf32>
    %logistic3A_49 = arith.constant 1.000000e+00 : f32
    %logistic3A_50 = vector.broadcast %logistic3A_49 : f32 to vector<3200x128xf32>
    %logistic3A_51 = arith.addf %logistic3A_50, %logistic3A_48 : vector<3200x128xf32>
    %logistic3A_52 = arith.divf %logistic3A_50, %logistic3A_51 : vector<3200x128xf32>
    %mul3A_53 = arith.mulf %dot_general3A_46, %logistic3A_52 : vector<3200x128xf32>
    %get3A_54 = arith.constant 0 : index
    %get3A_55 = arith.constant 0 : index
    %get3A_56 = vector.load %arg13[%get3A_54, %get3A_55] : memref<128x128xf32, #tpu.memory_space<vmem>>, vector<128x128xf32>
    %dot_general3A_57 = arith.constant dense<0.000000e+00> : vector<3200x128xf32>
    %dot_general3A_58 = tpu.matmul %mul3A_53, %get3A_56, %dot_general3A_57 {dimension_numbers = #tpu.dot_dimension_numbers<[1], [0], [0], [1], [0, 0, 1, 1], [], []>, transpose_lhs_hint = false} : vector<3200x128xf32>, vector<128x128xf32>, vector<3200x128xf32> -> vector<3200x128xf32>
    %logistic3A_59 = arith.negf %dot_general3A_58 : vector<3200x128xf32>
    %logistic3A_60 = math.exp %logistic3A_59 : vector<3200x128xf32>
    %logistic3A_61 = arith.constant 1.000000e+00 : f32
    %logistic3A_62 = vector.broadcast %logistic3A_61 : f32 to vector<3200x128xf32>
    %logistic3A_63 = arith.addf %logistic3A_62, %logistic3A_60 : vector<3200x128xf32>
    %logistic3A_64 = arith.divf %logistic3A_62, %logistic3A_63 : vector<3200x128xf32>
    %mul3A_65 = arith.mulf %dot_general3A_58, %logistic3A_64 : vector<3200x128xf32>
    %add3A_66 = arith.addf %mul3A_41, %mul3A_65 : vector<3200x128xf32>
    %mul3A_67 = arith.constant 0.707106769 : f32
    %mul3A_68 = vector.broadcast %mul3A_67 : f32 to vector<3200x128xf32>
    %mul3A_69 = arith.mulf %add3A_66, %mul3A_68 : vector<3200x128xf32>
    %get3A_70 = arith.constant 0 : index
    %get3A_71 = arith.constant 0 : index
    %get3A_72 = vector.load %arg9[%get3A_70, %get3A_71] : memref<16x128xf32, #tpu.memory_space<vmem>>, vector<16x128xf32>
    %dot_general3A_73 = arith.constant dense<0.000000e+00> : vector<3200x128xf32>
    %dot_general3A_74 = tpu.matmul %dot_general3A_8, %get3A_72, %dot_general3A_73 {dimension_numbers = #tpu.dot_dimension_numbers<[1], [0], [0], [1], [0, 0, 1, 1], [], []>, transpose_lhs_hint = false} : vector<3200x16xf32>, vector<16x128xf32>, vector<3200x128xf32> -> vector<3200x128xf32>
    %mul3A_75 = arith.mulf %mul3A_69, %dot_general3A_74 : vector<3200x128xf32>
    %get3A_76 = arith.constant 0 : index
    %get3A_77 = arith.constant 0 : index
    %get3A_78 = vector.load %arg14[%get3A_76, %get3A_77] : memref<128x1xf32, #tpu.memory_space<vmem>>, vector<128x1xf32>
    %dot_general3A_79 = arith.constant dense<0.000000e+00> : vector<3200x1xf32>
    %dot_general3A_80 = tpu.matmul %mul3A_75, %get3A_78, %dot_general3A_79 {dimension_numbers = #tpu.dot_dimension_numbers<[1], [0], [0], [1], [0, 0, 1, 1], [], []>, transpose_lhs_hint = false} : vector<3200x128xf32>, vector<128x1xf32>, vector<3200x1xf32> -> vector<3200x1xf32>
    %transpose3A = tpu.transpose %dot_general3A_80, [1, 0] : vector<3200x1xf32> -> vector<1x3200xf32>
    %reshape3A = vector.shape_cast %transpose3A : vector<1x3200xf32> to vector<1x25x128xf32>
    %get3A_81 = arith.constant 0 : index
    %get3A_82 = arith.constant 0 : index
    %get3A_83 = arith.constant 0 : index
    %get3A_84 = vector.load %arg3[%get3A_81, %get3A_82, %get3A_83] : memref<1x25x128xf32, #tpu.memory_space<vmem>>, vector<1x25x128xf32>
    %add3A_85 = arith.addf %reshape3A, %get3A_84 : vector<1x25x128xf32>
    %get3A_86 = arith.constant 0 : index
    %get3A_87 = arith.constant 0 : index
    %get3A_88 = arith.constant 0 : index
    %get3A_89 = vector.load %arg4[%get3A_86, %get3A_87, %get3A_88] : memref<1x25x128xf32, #tpu.memory_space<vmem>>, vector<1x25x128xf32>
    %mul3A_90 = arith.mulf %add3A_85, %get3A_89 : vector<1x25x128xf32>
    %swap3A_91 = arith.constant 0 : index
    %swap3A_92 = arith.constant 0 : index
    %swap3A_93 = arith.constant 0 : index
    %swap3A_94 = vector.load %arg16[%swap3A_91, %swap3A_92, %swap3A_93] : memref<1x25x128xf32, #tpu.memory_space<vmem>>, vector<1x25x128xf32>
    tpu.vector_store %arg16[%swap3A_91, %swap3A_92, %swap3A_93], %mul3A_90 {strides = array<i32>} : memref<1x25x128xf32, #tpu.memory_space<vmem>>, vector<1x25x128xf32>,
    %get3A_95 = arith.constant 0 : index
    %get3A_96 = arith.constant 0 : index
    %get3A_97 = arith.constant 0 : index
    %get3A_98 = vector.load %arg5[%get3A_95, %get3A_96, %get3A_97] : memref<1x25x128xf32, #tpu.memory_space<vmem>>, vector<1x25x128xf32>
    %mul3A_99 = arith.mulf %add3A_85, %get3A_98 : vector<1x25x128xf32>
    %swap3A_100 = arith.constant 0 : index
    %swap3A_101 = arith.constant 0 : index
    %swap3A_102 = arith.constant 0 : index
    %swap3A_103 = vector.load %arg17[%swap3A_100, %swap3A_101, %swap3A_102] : memref<1x25x128xf32, #tpu.memory_space<vmem>>, vector<1x25x128xf32>
    tpu.vector_store %arg17[%swap3A_100, %swap3A_101, %swap3A_102], %mul3A_99 {strides = array<i32>} : memref<1x25x128xf32, #tpu.memory_space<vmem>>, vector<1x25x128xf32>,
    %get3A_104 = arith.constant 0 : index
    %get3A_105 = arith.constant 0 : index
    %get3A_106 = arith.constant 0 : index
    %get3A_107 = vector.load %arg6[%get3A_104, %get3A_105, %get3A_106] : memref<1x25x128xf32, #tpu.memory_space<vmem>>, vector<1x25x128xf32>
    %mul3A_108 = arith.mulf %add3A_85, %get3A_107 : vector<1x25x128xf32>
    %swap3A_109 = arith.constant 0 : index
    %swap3A_110 = arith.constant 0 : index
    %swap3A_111 = arith.constant 0 : index
    %swap3A_112 = vector.load %arg18[%swap3A_109, %swap3A_110, %swap3A_111] : memref<1x25x128xf32, #tpu.memory_space<vmem>>, vector<1x25x128xf32>
    tpu.vector_store %arg18[%swap3A_109, %swap3A_110, %swap3A_111], %mul3A_108 {strides = array<i32>} : memref<1x25x128xf32, #tpu.memory_space<vmem>>, vector<1x25x128xf32>,
    return
  }
  func.func @transform_0(%arg0: i32) -> (i32, i32) {
    %c0_i32 = arith.constant 0 : i32
    %c0_i32_0 = arith.constant 0 : i32
    return %arg0, %c0_i32 : i32, i32
  }
  func.func @transform_1(%arg0: i32) -> (i32, i32) {
    %c0_i32 = arith.constant 0 : i32
    %c0_i32_0 = arith.constant 0 : i32
    return %arg0, %c0_i32 : i32, i32
  }
  func.func @transform_2(%arg0: i32) -> (i32, i32, i32) {
    %c0_i32 = arith.constant 0 : i32
    %c0_i32_0 = arith.constant 0 : i32
    %c0_i32_1 = arith.constant 0 : i32
    return %arg0, %c0_i32, %c0_i32_0 : i32, i32, i32
  }
  func.func @transform_3(%arg0: i32) -> (i32, i32, i32) {
    %c0_i32 = arith.constant 0 : i32
    %c0_i32_0 = arith.constant 0 : i32
    %c0_i32_1 = arith.constant 0 : i32
    return %arg0, %c0_i32, %c0_i32_0 : i32, i32, i32
  }
  func.func @transform_4(%arg0: i32) -> (i32, i32, i32) {
    %c0_i32 = arith.constant 0 : i32
    %c0_i32_0 = arith.constant 0 : i32
    %c0_i32_1 = arith.constant 0 : i32
    return %arg0, %c0_i32, %c0_i32_0 : i32, i32, i32
  }
  func.func @transform_5(%arg0: i32) -> (i32, i32, i32) {
    %c0_i32 = arith.constant 0 : i32
    %c0_i32_0 = arith.constant 0 : i32
    %c0_i32_1 = arith.constant 0 : i32
    return %arg0, %c0_i32, %c0_i32_0 : i32, i32, i32
  }
  func.func @transform_6(%arg0: i32) -> (i32, i32) {
    %c0_i32 = arith.constant 0 : i32
    %c0_i32_0 = arith.constant 0 : i32
    %c0_i32_1 = arith.constant 0 : i32
    return %c0_i32, %c0_i32_0 : i32, i32
  }
  func.func @transform_7(%arg0: i32) -> (i32, i32) {
    %c0_i32 = arith.constant 0 : i32
    %c0_i32_0 = arith.constant 0 : i32
    %c0_i32_1 = arith.constant 0 : i32
    return %c0_i32, %c0_i32_0 : i32, i32
  }
  func.func @transform_8(%arg0: i32) -> (i32, i32) {
    %c0_i32 = arith.constant 0 : i32
    %c0_i32_0 = arith.constant 0 : i32
    %c0_i32_1 = arith.constant 0 : i32
    return %c0_i32, %c0_i32_0 : i32, i32
  }
  func.func @transform_9(%arg0: i32) -> (i32, i32) {
    %c0_i32 = arith.constant 0 : i32
    %c0_i32_0 = arith.constant 0 : i32
    %c0_i32_1 = arith.constant 0 : i32
    return %c0_i32, %c0_i32_0 : i32, i32
  }
  func.func @transform_10(%arg0: i32) -> (i32, i32) {
    %c0_i32 = arith.constant 0 : i32
    %c0_i32_0 = arith.constant 0 : i32
    %c0_i32_1 = arith.constant 0 : i32
    return %c0_i32, %c0_i32_0 : i32, i32
  }
  func.func @transform_11(%arg0: i32) -> (i32, i32) {
    %c0_i32 = arith.constant 0 : i32
    %c0_i32_0 = arith.constant 0 : i32
    %c0_i32_1 = arith.constant 0 : i32
    return %c0_i32, %c0_i32_0 : i32, i32
  }
  func.func @transform_12(%arg0: i32) -> (i32, i32) {
    %c0_i32 = arith.constant 0 : i32
    %c0_i32_0 = arith.constant 0 : i32
    %c0_i32_1 = arith.constant 0 : i32
    return %c0_i32, %c0_i32_0 : i32, i32
  }
  func.func @transform_13(%arg0: i32) -> (i32, i32) {
    %c0_i32 = arith.constant 0 : i32
    %c0_i32_0 = arith.constant 0 : i32
    %c0_i32_1 = arith.constant 0 : i32
    return %c0_i32, %c0_i32_0 : i32, i32
  }
  func.func @transform_14(%arg0: i32) -> (i32, i32) {
    %c0_i32 = arith.constant 0 : i32
    %c0_i32_0 = arith.constant 0 : i32
    return %arg0, %c0_i32 : i32, i32
  }
  func.func @transform_15(%arg0: i32) -> (i32, i32, i32) {
    %c0_i32 = arith.constant 0 : i32
    %c0_i32_0 = arith.constant 0 : i32
    %c0_i32_1 = arith.constant 0 : i32
    return %arg0, %c0_i32, %c0_i32_0 : i32, i32, i32
  }
  func.func @transform_16(%arg0: i32) -> (i32, i32, i32) {
    %c0_i32 = arith.constant 0 : i32
    %c0_i32_0 = arith.constant 0 : i32
    %c0_i32_1 = arith.constant 0 : i32
    return %arg0, %c0_i32, %c0_i32_0 : i32, i32, i32
  }
  func.func @transform_17(%arg0: i32) -> (i32, i32, i32) {
    %c0_i32 = arith.constant 0 : i32
    %c0_i32_0 = arith.constant 0 : i32
    %c0_i32_1 = arith.constant 0 : i32
    return %arg0, %c0_i32, %c0_i32_0 : i32, i32, i32
  }
}

module attributes {stable_mosaic.version = 14 : i64} {
  func.func @_node_body(%arg0: memref<20480x128xf32, #tpu.memory_space<vmem>>, %arg1: memref<10000x1xf32, #tpu.memory_space<vmem>>, %arg2: memref<10000x1xi32, #tpu.memory_space<vmem>>, %arg3: memref<128x128xf32, #tpu.memory_space<vmem>>, %arg4: memref<128x128xf32, #tpu.memory_space<vmem>>, %arg5: memref<128x128xf32, #tpu.memory_space<vmem>>, %arg6: memref<128x128xf32, #tpu.memory_space<vmem>>, %arg7: memref<128x128xf32, #tpu.memory_space<vmem>>, %arg8: memref<128x1xf32, #tpu.memory_space<vmem>>, %arg9: memref<64x1xf32, #tpu.memory_space<vmem>>) attributes {dimension_semantics = [], scalar_prefetch = 0 : i64, scratch_operands = 0 : i64, tpu.core_type = #tpu.core_type<tc>} {
    %get3A = arith.constant 0 : index
    %get3A_0 = arith.constant 0 : index
    %get3A_1 = vector.load %arg0[%get3A, %get3A_0] : memref<20480x128xf32, #tpu.memory_space<vmem>>, vector<10000x128xf32>
    %get3A_2 = arith.constant 10240 : index
    %get3A_3 = arith.constant 0 : index
    %get3A_4 = vector.load %arg0[%get3A_2, %get3A_3] : memref<20480x128xf32, #tpu.memory_space<vmem>>, vector<10000x128xf32>
    %add3A = arith.addf %get3A_1, %get3A_4 : vector<10000x128xf32>
    %get3A_5 = arith.constant 0 : index
    %get3A_6 = arith.constant 0 : index
    %get3A_7 = vector.load %arg3[%get3A_5, %get3A_6] : memref<128x128xf32, #tpu.memory_space<vmem>>, vector<128x128xf32>
    %dot_general3A = arith.constant dense<0.000000e+00> : vector<10000x128xf32>
    %dot_general3A_8 = tpu.matmul %add3A, %get3A_7, %dot_general3A {dimension_numbers = #tpu.dot_dimension_numbers<[1], [0], [0], [1], [0, 0, 1, 1], [], []>, transpose_lhs_hint = false} : vector<10000x128xf32>, vector<128x128xf32>, vector<10000x128xf32> -> vector<10000x128xf32>
    %logistic3A = arith.negf %dot_general3A_8 : vector<10000x128xf32>
    %logistic3A_9 = math.exp %logistic3A : vector<10000x128xf32>
    %logistic3A_10 = arith.constant 1.000000e+00 : f32
    %logistic3A_11 = vector.broadcast %logistic3A_10 : f32 to vector<10000x128xf32>
    %logistic3A_12 = arith.addf %logistic3A_11, %logistic3A_9 : vector<10000x128xf32>
    %logistic3A_13 = arith.divf %logistic3A_11, %logistic3A_12 : vector<10000x128xf32>
    %mul3A = arith.mulf %dot_general3A_8, %logistic3A_13 : vector<10000x128xf32>
    %get3A_14 = arith.constant 0 : index
    %get3A_15 = arith.constant 0 : index
    %get3A_16 = vector.load %arg4[%get3A_14, %get3A_15] : memref<128x128xf32, #tpu.memory_space<vmem>>, vector<128x128xf32>
    %dot_general3A_17 = arith.constant dense<0.000000e+00> : vector<10000x128xf32>
    %dot_general3A_18 = tpu.matmul %mul3A, %get3A_16, %dot_general3A_17 {dimension_numbers = #tpu.dot_dimension_numbers<[1], [0], [0], [1], [0, 0, 1, 1], [], []>, transpose_lhs_hint = false} : vector<10000x128xf32>, vector<128x128xf32>, vector<10000x128xf32> -> vector<10000x128xf32>
    %logistic3A_19 = arith.negf %dot_general3A_18 : vector<10000x128xf32>
    %logistic3A_20 = math.exp %logistic3A_19 : vector<10000x128xf32>
    %logistic3A_21 = arith.constant 1.000000e+00 : f32
    %logistic3A_22 = vector.broadcast %logistic3A_21 : f32 to vector<10000x128xf32>
    %logistic3A_23 = arith.addf %logistic3A_22, %logistic3A_20 : vector<10000x128xf32>
    %logistic3A_24 = arith.divf %logistic3A_22, %logistic3A_23 : vector<10000x128xf32>
    %mul3A_25 = arith.mulf %dot_general3A_18, %logistic3A_24 : vector<10000x128xf32>
    %get3A_26 = arith.constant 0 : index
    %get3A_27 = arith.constant 0 : index
    %get3A_28 = vector.load %arg5[%get3A_26, %get3A_27] : memref<128x128xf32, #tpu.memory_space<vmem>>, vector<128x128xf32>
    %dot_general3A_29 = arith.constant dense<0.000000e+00> : vector<10000x128xf32>
    %dot_general3A_30 = tpu.matmul %mul3A_25, %get3A_28, %dot_general3A_29 {dimension_numbers = #tpu.dot_dimension_numbers<[1], [0], [0], [1], [0, 0, 1, 1], [], []>, transpose_lhs_hint = false} : vector<10000x128xf32>, vector<128x128xf32>, vector<10000x128xf32> -> vector<10000x128xf32>
    %logistic3A_31 = arith.negf %dot_general3A_30 : vector<10000x128xf32>
    %logistic3A_32 = math.exp %logistic3A_31 : vector<10000x128xf32>
    %logistic3A_33 = arith.constant 1.000000e+00 : f32
    %logistic3A_34 = vector.broadcast %logistic3A_33 : f32 to vector<10000x128xf32>
    %logistic3A_35 = arith.addf %logistic3A_34, %logistic3A_32 : vector<10000x128xf32>
    %logistic3A_36 = arith.divf %logistic3A_34, %logistic3A_35 : vector<10000x128xf32>
    %mul3A_37 = arith.mulf %dot_general3A_30, %logistic3A_36 : vector<10000x128xf32>
    %add3A_38 = arith.addf %mul3A, %mul3A_37 : vector<10000x128xf32>
    %mul3A_39 = arith.constant 0.707106769 : f32
    %mul3A_40 = vector.broadcast %mul3A_39 : f32 to vector<10000x128xf32>
    %mul3A_41 = arith.mulf %add3A_38, %mul3A_40 : vector<10000x128xf32>
    %get3A_42 = arith.constant 0 : index
    %get3A_43 = arith.constant 0 : index
    %get3A_44 = vector.load %arg6[%get3A_42, %get3A_43] : memref<128x128xf32, #tpu.memory_space<vmem>>, vector<128x128xf32>
    %dot_general3A_45 = arith.constant dense<0.000000e+00> : vector<10000x128xf32>
    %dot_general3A_46 = tpu.matmul %mul3A_41, %get3A_44, %dot_general3A_45 {dimension_numbers = #tpu.dot_dimension_numbers<[1], [0], [0], [1], [0, 0, 1, 1], [], []>, transpose_lhs_hint = false} : vector<10000x128xf32>, vector<128x128xf32>, vector<10000x128xf32> -> vector<10000x128xf32>
    %logistic3A_47 = arith.negf %dot_general3A_46 : vector<10000x128xf32>
    %logistic3A_48 = math.exp %logistic3A_47 : vector<10000x128xf32>
    %logistic3A_49 = arith.constant 1.000000e+00 : f32
    %logistic3A_50 = vector.broadcast %logistic3A_49 : f32 to vector<10000x128xf32>
    %logistic3A_51 = arith.addf %logistic3A_50, %logistic3A_48 : vector<10000x128xf32>
    %logistic3A_52 = arith.divf %logistic3A_50, %logistic3A_51 : vector<10000x128xf32>
    %mul3A_53 = arith.mulf %dot_general3A_46, %logistic3A_52 : vector<10000x128xf32>
    %get3A_54 = arith.constant 0 : index
    %get3A_55 = arith.constant 0 : index
    %get3A_56 = vector.load %arg7[%get3A_54, %get3A_55] : memref<128x128xf32, #tpu.memory_space<vmem>>, vector<128x128xf32>
    %dot_general3A_57 = arith.constant dense<0.000000e+00> : vector<10000x128xf32>
    %dot_general3A_58 = tpu.matmul %mul3A_53, %get3A_56, %dot_general3A_57 {dimension_numbers = #tpu.dot_dimension_numbers<[1], [0], [0], [1], [0, 0, 1, 1], [], []>, transpose_lhs_hint = false} : vector<10000x128xf32>, vector<128x128xf32>, vector<10000x128xf32> -> vector<10000x128xf32>
    %logistic3A_59 = arith.negf %dot_general3A_58 : vector<10000x128xf32>
    %logistic3A_60 = math.exp %logistic3A_59 : vector<10000x128xf32>
    %logistic3A_61 = arith.constant 1.000000e+00 : f32
    %logistic3A_62 = vector.broadcast %logistic3A_61 : f32 to vector<10000x128xf32>
    %logistic3A_63 = arith.addf %logistic3A_62, %logistic3A_60 : vector<10000x128xf32>
    %logistic3A_64 = arith.divf %logistic3A_62, %logistic3A_63 : vector<10000x128xf32>
    %mul3A_65 = arith.mulf %dot_general3A_58, %logistic3A_64 : vector<10000x128xf32>
    %add3A_66 = arith.addf %mul3A_41, %mul3A_65 : vector<10000x128xf32>
    %mul3A_67 = arith.constant 0.707106769 : f32
    %mul3A_68 = vector.broadcast %mul3A_67 : f32 to vector<10000x128xf32>
    %mul3A_69 = arith.mulf %add3A_66, %mul3A_68 : vector<10000x128xf32>
    %get3A_70 = arith.constant 0 : index
    %get3A_71 = arith.constant 0 : index
    %get3A_72 = vector.load %arg8[%get3A_70, %get3A_71] : memref<128x1xf32, #tpu.memory_space<vmem>>, vector<128x1xf32>
    %dot_general3A_73 = arith.constant dense<0.000000e+00> : vector<10000x1xf32>
    %dot_general3A_74 = tpu.matmul %mul3A_69, %get3A_72, %dot_general3A_73 {dimension_numbers = #tpu.dot_dimension_numbers<[1], [0], [0], [1], [0, 0, 1, 1], [], []>, transpose_lhs_hint = false} : vector<10000x128xf32>, vector<128x1xf32>, vector<10000x1xf32> -> vector<10000x1xf32>
    %get3A_75 = arith.constant 0 : index
    %get3A_76 = arith.constant 0 : index
    %get3A_77 = vector.load %arg1[%get3A_75, %get3A_76] : memref<10000x1xf32, #tpu.memory_space<vmem>>, vector<10000x1xf32>
    %add3A_78 = arith.addf %dot_general3A_74, %get3A_77 : vector<10000x1xf32>
    %iota3A = tpu.iota {dimensions = array<i32: 1>} : vector<10000x64xi32>
    %get3A_79 = arith.constant 0 : index
    %get3A_80 = arith.constant 0 : index
    %get3A_81 = vector.load %arg2[%get3A_79, %get3A_80] : memref<10000x1xi32, #tpu.memory_space<vmem>>, vector<10000x1xi32>
    %eq3A = vector.broadcast %get3A_81 : vector<10000x1xi32> to vector<10000x64xi32>
    %eq3A_82 = arith.cmpi eq, %eq3A, %iota3A : vector<10000x64xi32>
    %convert_element_type3A = arith.extui %eq3A_82 : vector<10000x64xi1> to vector<10000x64xi32>
    %convert_element_type3A_83 = arith.sitofp %convert_element_type3A : vector<10000x64xi32> to vector<10000x64xf32>
    %dot_general3A_84 = arith.constant dense<0.000000e+00> : vector<64x1xf32>
    %dot_general3A_85 = tpu.matmul %convert_element_type3A_83, %add3A_78, %dot_general3A_84 {dimension_numbers = #tpu.dot_dimension_numbers<[0], [0], [1], [1], [0, 1, 1, 1], [], []>, transpose_lhs_hint = false} : vector<10000x64xf32>, vector<10000x1xf32>, vector<64x1xf32> -> vector<64x1xf32>
    %swap3A = arith.constant 0 : index
    %swap3A_86 = arith.constant 0 : index
    %swap3A_87 = vector.load %arg9[%swap3A, %swap3A_86] : memref<64x1xf32, #tpu.memory_space<vmem>>, vector<64x1xf32>
    tpu.vector_store %arg9[%swap3A, %swap3A_86], %dot_general3A_85 {strides = array<i32>} : memref<64x1xf32, #tpu.memory_space<vmem>>, vector<64x1xf32>,
    return
  }
}

</mosaic_0001>

<sc_bundles>
// kernel: kernel.5.cloned.1.call-start
scs
__scs_entry_jumppad:
0x0: {  	(pc) =	sbr.rel $0x88, $3  }
0x1: {  	(tag) =	ssettag $0x0;
	lr =	simm.s32 $0x1  }
0x2: {  	[smem:$0x3F8B] =	sst lr;
	_ =	strace $0xD0000000  }
0x3: {  	_ = 	snop  }
0x4: {  	_ = 	snop  }
0x5: {  	_ = 	snop  }
0x6: {  	_ = 	snop  }
0x7: {  	_ = 	snop  }
__scs_overlays_trampoline_lowered:
0x8: {  	[smem:$0x3F9A] =	sst s0  }
0x9: {  	[smem:$0x3F9B] =	sst s1  }
0xa: {  	[smem:$0x3F9C] =	sst s2  }
0xb: {  	[smem:$0x3F9D] =	sst s3  }
0xc: {  	[smem:$0x3F9E] =	sst s4  }
0xd: {  	[smem:$0x3F9F] =	sst s5  }
0xe: {  	[smem:$0x3FA0] =	sst s6  }
0xf: {  	[smem:$0x3FA1] =	sst s7  }
0x10: {  	[smem:$0x3FA2] =	sst s8  }
0x11: {  	[smem:$0x3FA3] =	sst s9;
	s0 =	simm.s32 @!p0 $0x0  }
0x12: {  	s1 =	sld [smem:$0x3F89];
	s0 =	simm.s32 @p0 $0x1  }
0x13: {  	[smem:$0x3FA4] =	sst s0;
	s0 =	simm.s32 @!p1 $0x0  }
0x14: {  	s2 =	sld [smem:$0x3F88];
	s0 =	simm.s32 @p1 $0x1  }
0x15: {  	[smem:$0x3FA5] =	sst s0;
	s0 =	simm.s32 @!p2 $0x0  }
0x16: {  	s3 =	sld [smem:$0x3FDB];
	s0 =	simm.s32 @p2 $0x1  }
0x17: {  	s4 =	simm.s32 $0x1BF5;
	[smem:$0x3FA7] =	sst s0  }
0x18: {  	s0 =	sld [smem:$0x3F8A];
	_ =	swait.ge [sflag:s4], $0x0  }
0x19: {  	s7 =	sld [smem:$0x3F8B]  }
0x1a: {  	s8 =	sadd.s32 $0xFFFFE003, lr  }
0x1b: {  	s9 =	sadd.s32 $0xFFFFFEF7, lr;
	s5 =	simm.s32 $0xFFFFFFFF;
	p2 =	slt.u32 s8, $0xFFFFF086  }
0x1c: {  	p1 =	slt.u32 s9, $0xF7A;
	s5 =	simm.s32 @!p2 $0x0  }
0x1d: {  	s5 =	simm.s32 @p1 $0x1;
	p0 =	seq.s32 s7, s2  }
0x1e: {  	s7 =	smul.u32 @!p0 $0xF7A, s2;
	p2 =	seq.s32 @!p0 s5, $0x0  }
0x1f: {  	s9 =	smul.u32 $0xF7A, s1;
	s8 =	simm.s32 @!p0 $0x1BF5;
	p2 =	por !p2, p0  }
0x20: {  	[sflag:s8] =	ssyncset.s32 @!p0 $0xFFFFF086;
	s6 =	sadd.s32 @!p0 s3, s7;
	s7 =	simm.s32 @!p0 $0x108  }
0x21: {  	s3 =	sadd.s32 s3, s9;
	s6 =	sadd.s32 @!p0 $0x88, s6;
	s7 =	simm.s32 @p2 $0x1082  }
0x22: {  	[simem:s7], [sflag:s8] =	dma.local @!p0 [hbm:s6], $0xF7A  }
0x23: {  	s9 =	sor.u32 $0xD0000000, s2;
	s6 =	simm.s32 $0x108;
	_ =	swait.ge @!p0 [sflag:s8], $0x0  }
0x24: {  	s3 =	sadd.s32 $0x88, s3;
	s6 =	simm.s32 @!p1 $0x1082;
	[sflag:s4] =	ssyncset.s32 $0xFFFFF086  }
0x25: {  	[simem:s6], [sflag:s4] =	dma.local [hbm:s3], $0xF7A  }
0x26: {  	[smem:$0x3F8B] =	sst s1;
	(tag) =	ssettag s2;
	_ =	strace s9  }
0x27: {  	s1 =	sld [smem:$0x3F9B]  }
0x28: {  	s2 =	sld [smem:$0x3F9C]  }
0x29: {  	s4 =	sld [smem:$0x3F9E]  }
0x2a: {  	p0 =	seq.s32 s5, $0x0;
	s5 =	sld [smem:$0x3F9F]  }
0x2b: {  	s6 =	sld [smem:$0x3FA0]  }
0x2c: {  	s7 =	sld [smem:$0x3FA1]  }
0x2d: {  	s3 =	simm.s32 $0x108;
	s8 =	sld [smem:$0x3FA2]  }
0x2e: {  	s3 =	simm.s32 @!p0 $0x1082;
	s9 =	sld [smem:$0x3FA3]  }
0x2f: {  	lr =	sadd.s32 s0, s3;
	s0 =	sld [smem:$0x3F9A]  }
0x30: {  	s3 =	sld [smem:$0x3F9D]  }
0x31: {  	[smem:$0x3FA6] =	sst s10  }
0x32: {  	s10 =	sld [smem:$0x3FA4];
	_ =	sdelay $0x3  }
0x33: {  	p0 =	seq.s32 s10, $0x1;
	s10 =	sld [smem:$0x3FA6];
	_ =	sdelay $0x3  }
0x34: {  	[smem:$0x3FA6] =	sst s10  }
0x35: {  	s10 =	sld [smem:$0x3FA5];
	_ =	sdelay $0x3  }
0x36: {  	p1 =	seq.s32 s10, $0x1;
	s10 =	sld [smem:$0x3FA6];
	_ =	sdelay $0x3  }
0x37: {  	[smem:$0x3FA6] =	sst s10  }
0x38: {  	s10 =	sld [smem:$0x3FA7]  }
0x39: {  	_ = 	snop;
	(pc) =	sbr.ind lr, $3  }
0x3a: {  	_ = 	snop  }
0x3b: {  	_ = 	snop  }
0x3c: {  	p2 =	seq.s32 s10, $0x1;
	s10 =	sld [smem:$0x3FA6]  }
0x3d: {  	_ =	shalt  }
0x3e: {  	_ =	shalt  }
0x3f: {  	_ =	shalt  }
0x40: {  	_ =	shalt  }
0x41: {  	_ =	shalt  }
0x42: {  	_ =	shalt  }
0x43: {  	_ =	shalt  }
0x44: {  	_ =	shalt  }
0x45: {  	_ =	shalt  }
0x46: {  	_ =	shalt  }
0x47: {  	_ =	shalt  }
0x48: {  	_ =	shalt  }
0x49: {  	_ =	shalt  }
0x4a: {  	_ =	shalt  }
0x4b: {  	_ =	shalt  }
0x4c: {  	_ =	shalt  }
0x4d: {  	_ =	shalt  }
0x4e: {  	_ =	shalt  }
0x4f: {  	_ =	shalt  }
0x50: {  	_ =	shalt  }
0x51: {  	_ =	shalt  }
0x52: {  	_ =	shalt  }
0x53: {  	_ =	shalt  }
0x54: {  	_ =	shalt  }
0x55: {  	_ =	shalt  }
0x56: {  	_ =	shalt  }
0x57: {  	_ =	shalt  }
0x58: {  	_ =	shalt  }
0x59: {  	_ =	shalt  }
0x5a: {  	_ =	shalt  }
0x5b: {  	_ =	shalt  }
0x5c: {  	_ =	shalt  }
0x5d: {  	_ =	shalt  }
0x5e: {  	_ =	shalt  }
0x5f: {  	_ =	shalt  }
0x60: {  	_ =	shalt  }
0x61: {  	_ =	shalt  }
0x62: {  	_ =	shalt  }
0x63: {  	_ =	shalt  }
0x64: {  	_ =	shalt  }
0x65: {  	_ =	shalt  }
0x66: {  	_ =	shalt  }
0x67: {  	_ =	shalt  }
0x68: {  	_ =	shalt  }
0x69: {  	_ =	shalt  }
0x6a: {  	_ =	shalt  }
0x6b: {  	_ =	shalt  }
0x6c: {  	_ =	shalt  }
0x6d: {  	_ =	shalt  }
0x6e: {  	_ =	shalt  }
0x6f: {  	_ =	shalt  }
0x70: {  	_ =	shalt  }
0x71: {  	_ =	shalt  }
0x72: {  	_ =	shalt  }
0x73: {  	_ =	shalt  }
0x74: {  	_ =	shalt  }
0x75: {  	_ =	shalt  }
0x76: {  	_ =	shalt  }
0x77: {  	_ =	shalt  }
0x78: {  	_ =	shalt  }
0x79: {  	_ =	shalt  }
0x7a: {  	_ =	shalt  }
0x7b: {  	_ =	shalt  }
0x7c: {  	_ =	shalt  }
0x7d: {  	_ =	shalt  }
0x7e: {  	_ =	shalt  }
0x7f: {  	_ =	shalt  }
0x80: {  	_ =	shalt  }
0x81: {  	_ =	shalt  }
0x82: {  	_ =	shalt  }
0x83: {  	_ =	shalt  }
0x84: {  	_ =	shalt  }
0x85: {  	_ =	shalt  }
0x86: {  	_ =	shalt  }
0x87: {  	_ =	shalt  }
.Lfunc_end0:
.L_simem_size_0:
called_computation_lowered:
.L_overlay_start_0:
0x88: {  	s2 =	sld [smem:$0x3FD9]  }
0x89: {  	s3 =	sld [smem:$0x3FFE];
	_ =	sdelay $0x1  }
0x8a: {  	s1 =	srdreg.scid  }
0x8b: {  	s0 =	sand.u32 $0x1, s1  }
0x8c: {  	s14 =	sshll.u32 s0, $0xA;
	s2 =	sadd.s32 s3, s2  }
0x8d: {  	s2 =	sadd.s32 s2, s14  }
0x8e: {  	[smem:$0x3FB2] =	sst s2  }
0x8f: {  	_ = 	snop  }
0x90: {  	s2 =	sld [smem:$0x3FD0];
	_ =	sdelay $0x2  }
0x91: {  	s15 =	simm.s32 $0xA;
	s4 =	simm.s32 $0x10  }
0x92: {  	[smem:s4], [sflag:s15] =	dma.local [hbm:s2], $0x1  }
0x93: {  	_ =	swait.eq [sflag:s15], $0x1  }
0x94: {  	[sflag:s15] =	ssyncset.done $0x0  }
0x95: {  	[sflag:s15] =	ssyncadd.s32 $0xFFFFFFFF  }
0x96: {  	s16 =	sld [smem:$0x11];
	(tm) =	ssettm $0x1  }
0x97: {  	s17 =	sld [smem:$0x3FFB];
	_ =	sdelay $0x3  }
0x98: {  	_ =	strace s17  }
0x99: {  	s3 =	sld [smem:$0x3FFC];
	_ =	sdelay $0x3  }
0x9a: {  	_ =	strace s3  }
0x9b: {  	s3 =	sld [smem:$0x3FFD];
	_ =	sdelay $0x3  }
0x9c: {  	_ =	strace s3  }
0x9d: {  	_ =	strace $0x8FFFFFFF  }
0x9e: {  	s18 =	sld [smem:$0x3FDB];
	_ =	sdelay $0x1  }
0x9f: {  	s19 =	simm.s32 $_scs_section_size  }
0xa0: {  	s5 =	simm.s32 $_size__tile_overlayer_lowered;
	s6 =	simm.s32 $_tile_overlayer_lowered  }
0xa1: {  	s22 =	simm.s32 $0x1BFF;
	s21 =	sshll.u32 s6, $0x1;
	s3 =	sadd.s32 s19, s18  }
0xa2: {  	s7 =	simm.s32 $0x0;
	s20 =	sshll.u32 s5, $0x1;
	s5 =	sadd.s32 s21, s3  }
0xa3: {  	[timem:s7], [sflag:s22] =	dma.local [hbm:s5], s20  }
0xa4: {  	_ =	swait.ge [sflag:s22], s20  }
0xa5: {  	s4 =	ssub.s32 $0x0, s20;
	[sflag:s22] =	ssyncset.done $0x0  }
0xa6: {  	[sflag:s22] =	ssyncadd.s32 s4;
	_ =	sdelay $0x1  }
0xa7: {  	s23 =	simm.s32 $0x1B8B  }
0xa8: {  	_ =	swait.ge [sflag:s23], $0x1  }
0xa9: {  	[sflag:s23] =	ssyncset.done $0x0  }
0xaa: {  	s25 =	simm.s32 $0x1B8E;
	s24 =	sld [smem:$0x3FFE];
	[sflag:s23] =	ssyncadd.s32 $0xFFFFFFFF  }
0xab: {  	s26 =	simm.s32 $execute0_lowered;
	[smem:$0x3FD2] =	sst s25  }
0xac: {  	s5 =	sshll.u32 s26, $0x1;
	_ =	strace $0x80000046;
	[dreg:$0x1] =	wrdreg $0xFFFFFFFF  }
0xad: {  	s28 =	simm.s32 $_size_execute0_lowered;
	s3 =	sadd.s32 s3, s5;
	[dreg:$0x0] =	wrdreg $0x0  }
0xae: {  	s5 =	sshll.u32 s28, $0x1;
	[dreg:$0x2] =	wrdreg s3  }
0xaf: {  	[dreg:$0x3] =	wrdreg s5  }
0xb0: {  	[dreg:$0x4] =	wrdreg $0xC0  }
0xb1: {  	_ =	task [dreg:s7], $0x5FFFF  }
0xb2: {  	[dreg:$0x1] =	wrdreg $0xFFFFFFFF  }
0xb3: {  	[dreg:$0x0] =	wrdreg $0x60  }
0xb4: {  	[dreg:$0x2] =	wrdreg s24  }
0xb5: {  	[dreg:$0x3] =	wrdreg s16  }
0xb6: {  	[dreg:$0x4] =	wrdreg $0x84000  }
0xb7: {  	[dreg:$0x5] =	wrdreg $0x1C4000  }
0xb8: {  	[dreg:$0x6] =	wrdreg $0x1C6800  }
0xb9: {  	[dreg:$0x7] =	wrdreg $0x1C9000  }
0xba: {  	[dreg:$0x8] =	wrdreg $0x9  }
0xbb: {  	_ =	task.clear_ibuf [dreg:s7], $0x9FFFF;
	_ =	strace $0x90000046  }
0xbc: {  	s29 =	simm.s32 $0x9;
	_ =	strace $0x80000048  }
0xbd: {  	_ =	swait.ge [sflag:s29], $0x1  }
0xbe: {  	[sflag:s29] =	ssyncadd.s32 $0xFFFFFFFF  }
0xbf: {  	_ =	strace $0x90000048  }
0xc0: {  	_ =	sfence  }
0xc1: {  	s30 =	sld [smem:$0x0];
	_ =	sdelay $0x2  }
0xc2: {  	s31 =	sshll.u32 s1, $0xD;
	s1 =	sshrl.u32 s1, $0x2  }
0xc3: {  	s3 =	sand.u32 $0x4000, s31;
	s1 =	sadd.s32 s1, s30  }
0xc4: {  	s0 =	sor.u32 s3, s0;
	s1 =	sshll.u32 s1, $0x11  }
0xc5: {  	s0 =	sor.u32 s1, s0  }
0xc6: {  	s0 =	sadd.s32 $0x8F2B, s0  }
0xc7: {  	[sflag:s0] =	ssyncadd.remote.s32 $0x1  }
0xc8: {  	_ =	sfence.sel $0xFFFF  }
0xc9: {  	[dreg:$0x0] =	wrdreg $0xFFFFFFFF;
	(pc) =	sbr.abs _section_cstart, $3  }
0xca: {  	[dreg:$0x1] =	wrdreg $0xFFFFFFFF  }
0xcb: {  	_ =	task.clear_ibuf [dreg:s7], $0x2FFFF;
	_ =	strace $0x9FFFFFFF  }
0xcc: {  	(tm) =	ssettm $0x7FFFFFFF  }
0xcd: {  	_ =	shalt  }
tec
execute0_lowered:
.L_overlay_start_1:
0x0: {  	(tag) =	ssettag $0x1  }
0x1: {  	s0 =	rddreg [dreg:$0x0]  }
0x2: {  	s4 =	rddreg [dreg:$0x1]  }
0x3: {  	s1 =	rddreg [dreg:$0x2]  }
0x4: {  	s2 =	rddreg [dreg:$0x3]  }
0x5: {  	s3 =	rddreg [dreg:$0x4]  }
0x6: {  	s5 =	rddreg [dreg:$0x5];
	s6 =	simm.s32 $0x0;
	s24 =	stileid.u32  }
0x7: {  	s7 =	srdreg.scid;
	[smem:$0x7FF] =	sst s6  }
0x8: {  	s12 =	smul.u32 $0x280, s24;
	s13 =	sand.u32 $0x1, s7;
	s7 =	sadd.s32 $0x1F400, s0  }
0x9: {  	s8 =	sadd.s32 $0x4E3A00, s0;
	s9 =	sadd.s32 $0x1A00, s0;
	s10 =	sadd.s32 $0xB800, s0  }
0xa: {  	s15 =	smul.u32 $0x2800, s24;
	s11 =	sadd.s32 $0x15600, s0;
	s19 =	sshll.u32 s24, $0x1  }
0xb: {  	s22 =	sshll.u32 s24, $0x9;
	s25 =	smul.u32 $0x50000, s24;
	_ =	strace $0x80000047  }
0xc: {  	s14 =	smul.u32 $0x2800, s13;
	s18 =	ssub.s32 $0x2, s13;
	s19 =	sor.u32 s13, s19  }
0xd: {  	s23 =	sshll.u32 s13, $0x8;
	s13 =	sshll.u32 s13, $0xC;
	s16 =	sshrl.u32 s12, $0x3  }
0xe: {  	s15 =	sadd.s32 s15, s0;
	s20 =	sshrl.u32 s18, $0x1;
	s21 =	sshll.u32 s19, $0xC  }
0xf: {  	s29 =	sshrl.u32 s25, $0x2;
	s14 =	sadd.s32 s12, s14;
	s16 =	sadd.s32 s16, s0  }
0x10: {  	s18 =	ssub.s32 s18, s20;
	s20 =	sshll.u32 s19, $0x5;
	s28 =	sadd.s32 s8, s21  }
0x11: {  	s21 =	sshll.u32 s24, $0x6;
	s15 =	sadd.s32 $0x29200, s15;
	[dreg:$0x9] =	wrdreg s28  }
0x12: {  	s17 =	sshll.u32 s14, $0x4;
	s26 =	sadd.s32 s7, s20;
	[dreg:$0xe] =	wrdreg s15  }
0x13: {  	s14 =	sshrl.u32 s14, $0x3;
	s30 =	sadd.s32 s9, s20;
	[dreg:$0x8] =	wrdreg s26  }
0x14: {  	s31 =	sadd.s32 s10, s20;
	s20 =	sadd.s32 s11, s20;
	[dreg:$0xa] =	wrdreg s30  }
0x15: {  	s15 =	simm.s32 $0x3;
	s17 =	sadd.s32 s17, s0;
	[dreg:$0xb] =	wrdreg s31  }
0x16: {  	s0 =	sadd.s32 s14, s0;
	s4 =	sadd.s32 s4, s14;
	[dreg:$0xc] =	wrdreg s20  }
0x17: {  	s20 =	sor.u32 $0x1C03, s21;
	s26 =	ssub.s32 $0x501, s19;
	s19 =	simm.s32 $0x8280  }
0x18: {  	[dreg:$0x7] =	wrdreg s4;
	s4 =	sor.u32 s23, s22;
	s22 =	sadd.s32 $0x51200, s16  }
0x19: {  	s23 =	sshll.u32 s24, $0xD;
	s24 =	sadd.s32 s12, s3;
	[dreg:$0xf] =	wrdreg s22  }
0x1a: {  	s25 =	sadd.s32 $0x52C00, s17;
	s28 =	sadd.s32 $0x51800, s0;
	[dreg:$0x11] =	wrdreg s24  }
0x1b: {  	s0 =	sadd.s32 $0x52200, s0;
	s30 =	sshrl.u32 s26, $0x5;
	[dreg:$0x13] =	wrdreg s25  }
0x1c: {  	s16 =	simm.s32 $0x1;
	s17 =	simm.s32 $0x80;
	[dreg:$0x14] =	wrdreg s28  }
0x1d: {  	s14 =	sadd.s32 s23, s8;
	s23 =	sadd.s32 s12, s2;
	[dreg:$0x15] =	wrdreg s0  }
0x1e: {  	s12 =	sadd.s32 s12, s5;
	[dreg:$0x17] =	wrdreg s30;
	s21 =	sor.u32 $0x2000, s4  }
0x1f: {  	s4 =	simm.s32 $0x100;
	s22 =	simm.s32 $0x8300;
	s24 =	simm.s32 $0x2  }
0x20: {  	s25 =	simm.s32 $0x0;
	s13 =	sadd.s32 s13, s14;
	[dreg:$0x10] =	wrdreg s23  }
0x21: {  	s14 =	sadd.s32 s29, s1;
	[dreg:$0x12] =	wrdreg s12;
	s29 =	smax.u32 s18, $0x1  }
0x22: {  	s12 =	simm.s32 $0x8100;
	s18 =	simm.s32 $0x4100;
	[dreg:$0xd] =	wrdreg s14  }
0x23: {  	s23 =	simm.s32 $0x8380;
	[dreg:$0x16] =	wrdreg s29;
	s31 =	sadd.s32 $0x800, s13  }
0x24: {  	s13 =	simm.s32 $0x8180;
	s14 =	simm.s32 $0x8200;
	[dreg:$0x18] =	wrdreg s31  }
.LBB2_1:
0x25: {  	s0 =	rddreg [dreg:$0x8]  }
0x26: {  	s28 =	rddreg [dreg:$0x9]  }
0x27: {  	[tilespmem:s6], [sflag:$0x1] =	stream.linear.gather [hbm4b:s0+s6], $0x80, $0x38;
	[tilespmem:$0x1CB80] =	vst v63  }
0x28: {  	s29 =	rddreg [dreg:$0xa]  }
0x29: {  	[tilespmem:s4], [sflag:$0x1] =	stream.linear.gather [hbm4b:s28+s6], $0x4000, $0x38;
	[tilespmem:$0x1CB80] =	vst v63  }
0x2a: {  	s30 =	rddreg [dreg:$0xb]  }
0x2b: {  	[tilespmem:s12], [sflag:$0x1] =	stream.linear.gather [hbm4b:s29+s6], $0x80, $0x38;
	[tilespmem:$0x1CB80] =	vst v63  }
0x2c: {  	s26 =	rddreg [dreg:$0xc]  }
0x2d: {  	[tilespmem:s13], [sflag:$0x1] =	stream.linear.gather [hbm4b:s30+s6], $0x80, $0x38;
	[tilespmem:$0x1CB80] =	vst v63  }
0x2e: {  	s28 =	rddreg [dreg:$0xd]  }
0x2f: {  	[tilespmem:s14], [sflag:$0x1] =	stream.linear.gather [hbm4b:s26+s6], $0x80, $0x38;
	[tilespmem:$0x1CB80] =	vst v63  }
0x30: {  	s29 =	rddreg [dreg:$0xe];
	s26 =	sshrl.u32 s28, $0x3  }
0x31: {  	[dreg:$0x19] =	wrdreg s26  }
0x32: {  	[spmem:s26], [sflag:s20] =	dma.local [hbm:s29], $0x2800  }
0x33: {  	_ =	swait.ge [sflag:s15], $0x2800  }
0x34: {  	s30 =	rddreg [dreg:$0x10]  }
0x35: {  	[sflag:s15] =	ssyncset.done $0x0;
	s28 =	rddreg [dreg:$0xf];
	s0 =	sshrl.u32 s30, $0x3  }
0x36: {  	[sflag:s15] =	ssyncadd.s32 $0xFFFFD800;
	[dreg:$0x1a] =	wrdreg s0  }
0x37: {  	[spmem:s0], [sflag:s20] =	dma.local [hbm:s28], $0x50  }
0x38: {  	_ =	swait.ge [sflag:s15], $0x50  }
0x39: {  	s29 =	rddreg [dreg:$0x11]  }
0x3a: {  	[sflag:s15] =	ssyncset.done $0x0;
	s26 =	sshrl.u32 s29, $0x3  }
0x3b: {  	[sflag:s15] =	ssyncadd.s32 $0xFFFFFFB0;
	[dreg:$0x1b] =	wrdreg s26  }
0x3c: {  	[spmem:s26], [sflag:s20] =	dma.local [hbm:s28], $0x50  }
0x3d: {  	_ =	swait.ge [sflag:s15], $0x50  }
0x3e: {  	s30 =	rddreg [dreg:$0x12]  }
0x3f: {  	[sflag:s15] =	ssyncset.done $0x0;
	s26 =	sshrl.u32 s30, $0x3  }
0x40: {  	[sflag:s15] =	ssyncadd.s32 $0xFFFFFFB0;
	[dreg:$0x1c] =	wrdreg s26  }
0x41: {  	[spmem:s26], [sflag:s20] =	dma.local [hbm:s28], $0x50  }
0x42: {  	_ =	swait.ge [sflag:s15], $0x50  }
0x43: {  	[sflag:s15] =	ssyncset.done $0x0  }
0x44: {  	[sflag:s15] =	ssyncadd.s32 $0xFFFFFFB0  }
0x45: {  	[bflag:$0x0] =	sbarrier.arrive $0xFFFF  }
0x46: {  	_ =	swait.ge [sflag:s16], $0x80  }
0x47: {  	[sflag:s16] =	ssyncset.done $0x0  }
0x48: {  	[sflag:s16] =	ssyncadd.s32 $0xFFFFFF80  }
0x49: {  	_ =	swait.ge [sflag:s16], $0x4000  }
0x4a: {  	[sflag:s16] =	ssyncset.done $0x0  }
0x4b: {  	[sflag:s16] =	ssyncadd.s32 $0xFFFFC000  }
0x4c: {  	_ =	swait.ge [sflag:s16], $0x80  }
0x4d: {  	[sflag:s16] =	ssyncset.done $0x0  }
0x4e: {  	[sflag:s16] =	ssyncadd.s32 $0xFFFFFF80  }
0x4f: {  	_ =	swait.ge [sflag:s16], $0x80  }
0x50: {  	[sflag:s16] =	ssyncset.done $0x0  }
0x51: {  	[sflag:s16] =	ssyncadd.s32 $0xFFFFFF80  }
0x52: {  	s26 =	sadd.s32 $0xFFFFE080, s21;
	_ =	swait.ge [sflag:s16], $0x80  }
0x53: {  	s0 =	sshrl.u32 s26, $0x3;
	[sflag:s16] =	ssyncset.done $0x0  }
0x54: {  	s28 =	sadd.s32 s7, s0;
	[sflag:s16] =	ssyncadd.s32 $0xFFFFFF80  }
0x55: {  	[tilespmem:s17], [sflag:$0x2] =	stream.linear.gather [hbm4b:s28+s6], $0x80, $0x38;
	[tilespmem:$0x1CB80] =	vst v63  }
0x56: {  	s28 =	rddreg [dreg:$0x18]  }
0x57: {  	[tilespmem:s18], [sflag:$0x2] =	stream.linear.gather [hbm4b:s28+s6], $0x4000, $0x38;
	[tilespmem:$0x1CB80] =	vst v63  }
0x58: {  	s29 =	sadd.s32 s9, s0  }
0x59: {  	[tilespmem:s19], [sflag:$0x2] =	stream.linear.gather [hbm4b:s29+s6], $0x80, $0x38;
	[tilespmem:$0x1CB80] =	vst v63  }
0x5a: {  	s30 =	sadd.s32 s10, s0  }
0x5b: {  	[tilespmem:s22], [sflag:$0x2] =	stream.linear.gather [hbm4b:s30+s6], $0x80, $0x38;
	[tilespmem:$0x1CB80] =	vst v63  }
0x5c: {  	s0 =	sadd.s32 s11, s0  }
0x5d: {  	[tilespmem:s23], [sflag:$0x2] =	stream.linear.gather [hbm4b:s0+s6], $0x80, $0x38;
	[tilespmem:$0x1CB80] =	vst v63  }
0x5e: {  	_ = 	snop  }
0x5f: {  	[spmem:s1] =	stream.indirect.scatter.add.f32 [tilespmem:s4], [sflag:$0x3], $0x80, s6, s17, $0xb8;
	[tilespmem:$0x1CB80] =	vst v63  }
0x60: {  	_ =	swait.ge [sflag:s15], $0x4000  }
0x61: {  	[sflag:s15] =	ssyncset.done $0x0  }
0x62: {  	[sflag:s15] =	ssyncadd.s32 $0xFFFFC000  }
0x63: {  	[spmem:s2] =	stream.indirect.scatter.add.f32 [tilespmem:s12], [sflag:$0x3], $0x1, s6, s17, $0xb8;
	[tilespmem:$0x1CB80] =	vst v63  }
0x64: {  	_ =	swait.ge [sflag:s15], $0x80  }
0x65: {  	[sflag:s15] =	ssyncset.done $0x0  }
0x66: {  	[sflag:s15] =	ssyncadd.s32 $0xFFFFFF80  }
0x67: {  	[spmem:s3] =	stream.indirect.scatter.add.f32 [tilespmem:s13], [sflag:$0x3], $0x1, s6, s17, $0xb8;
	[tilespmem:$0x1CB80] =	vst v63  }
0x68: {  	_ =	swait.ge [sflag:s15], $0x80  }
0x69: {  	[sflag:s15] =	ssyncset.done $0x0  }
0x6a: {  	[sflag:s15] =	ssyncadd.s32 $0xFFFFFF80  }
0x6b: {  	[spmem:s5] =	stream.indirect.scatter.add.f32 [tilespmem:s14], [sflag:$0x3], $0x1, s6, s17, $0xb8;
	[tilespmem:$0x1CB80] =	vst v63  }
0x6c: {  	_ =	swait.ge [sflag:s15], $0x80  }
0x6d: {  	[sflag:s15] =	ssyncset.done $0x0  }
0x6e: {  	[sflag:s15] =	ssyncadd.s32 $0xFFFFFF80  }
0x6f: {  	_ =	swait.ge [sflag:s24], $0x80  }
0x70: {  	[sflag:s24] =	ssyncset.done $0x0  }
0x71: {  	[sflag:s24] =	ssyncadd.s32 $0xFFFFFF80  }
0x72: {  	_ =	swait.ge [sflag:s24], $0x4000  }
0x73: {  	[sflag:s24] =	ssyncset.done $0x0  }
0x74: {  	[sflag:s24] =	ssyncadd.s32 $0xFFFFC000  }
0x75: {  	_ =	swait.ge [sflag:s24], $0x80  }
0x76: {  	[sflag:s24] =	ssyncset.done $0x0  }
0x77: {  	[sflag:s24] =	ssyncadd.s32 $0xFFFFFF80  }
0x78: {  	_ =	swait.ge [sflag:s24], $0x80  }
0x79: {  	[sflag:s24] =	ssyncset.done $0x0  }
0x7a: {  	p0 =	slt.s32 s21, $0x4E180;
	s0 =	smov.u32 s21;
	[sflag:s24] =	ssyncadd.s32 $0xFFFFFF80  }
0x7b: {  	s0 =	simm.s32 @!p0 $0x4E180;
	_ =	swait.ge [sflag:s24], $0x80  }
0x7c: {  	s26 =	sshrl.u32 s0, $0x3;
	[sflag:s24] =	ssyncset.done $0x0  }
0x7d: {  	s0 =	sshll.u32 s0, $0x4;
	s31 =	sadd.s32 s7, s26;
	[sflag:s24] =	ssyncadd.s32 $0xFFFFFF80  }
0x7e: {  	[tilespmem:s6], [sflag:$0x1] =	stream.linear.gather [hbm4b:s31+s6], $0x80, $0x38;
	[tilespmem:$0x1CB80] =	vst v63  }
0x7f: {  	s0 =	sadd.s32 s8, s0  }
0x80: {  	[tilespmem:s4], [sflag:$0x1] =	stream.linear.gather [hbm4b:s0+s6], $0x4000, $0x38;
	[tilespmem:$0x1CB80] =	vst v63  }
0x81: {  	s29 =	sadd.s32 s9, s26  }
0x82: {  	[tilespmem:s12], [sflag:$0x1] =	stream.linear.gather [hbm4b:s29+s6], $0x80, $0x38;
	[tilespmem:$0x1CB80] =	vst v63  }
0x83: {  	s30 =	sadd.s32 s10, s26  }
0x84: {  	[tilespmem:s13], [sflag:$0x1] =	stream.linear.gather [hbm4b:s30+s6], $0x80, $0x38;
	[tilespmem:$0x1CB80] =	vst v63  }
0x85: {  	s29 =	sadd.s32 s11, s26  }
0x86: {  	[tilespmem:s14], [sflag:$0x1] =	stream.linear.gather [hbm4b:s29+s6], $0x80, $0x38;
	[tilespmem:$0x1CB80] =	vst v63  }
0x87: {  	_ = 	snop  }
0x88: {  	[spmem:s1] =	stream.indirect.scatter.add.f32 [tilespmem:s18], [sflag:$0x3], $0x80, s17, s17, $0xb8;
	[tilespmem:$0x1CB80] =	vst v63  }
0x89: {  	_ =	swait.ge [sflag:s15], $0x4000  }
0x8a: {  	[sflag:s15] =	ssyncset.done $0x0  }
0x8b: {  	[sflag:s15] =	ssyncadd.s32 $0xFFFFC000  }
0x8c: {  	[spmem:s2] =	stream.indirect.scatter.add.f32 [tilespmem:s19], [sflag:$0x3], $0x1, s17, s17, $0xb8;
	[tilespmem:$0x1CB80] =	vst v63  }
0x8d: {  	_ =	swait.ge [sflag:s15], $0x80  }
0x8e: {  	[sflag:s15] =	ssyncset.done $0x0  }
0x8f: {  	[sflag:s15] =	ssyncadd.s32 $0xFFFFFF80  }
0x90: {  	[spmem:s3] =	stream.indirect.scatter.add.f32 [tilespmem:s22], [sflag:$0x3], $0x1, s17, s17, $0xb8;
	[tilespmem:$0x1CB80] =	vst v63  }
0x91: {  	_ =	swait.ge [sflag:s15], $0x80  }
0x92: {  	s30 =	rddreg [dreg:$0x17]  }
0x93: {  	p0 =	sne.s32 s30, $0x1  }
.Ltmp0:
0x94: {  	[sflag:s15] =	ssyncset.done $0x0;
	(pc) =	sbr.rel @!p0 .LBB2_3-.Ltmp0, $4  }
0x95: {  	[sflag:s15] =	ssyncadd.s32 $0xFFFFFF80  }
0x96: {  	[spmem:s5] =	stream.indirect.scatter.add.f32 [tilespmem:s23], [sflag:$0x3], $0x1, s17, s17, $0xb8;
	[tilespmem:$0x1CB80] =	vst v63  }
0x97: {  	s31 =	smov.u32 s21;
	_ =	swait.ge [sflag:s15], $0x80  }
0x98: {  	s26 =	smov.u32 s28;
	s0 =	sadd.s32 $0xFFFFFFFF, s30;
	[sflag:s15] =	ssyncset.done $0x0  }
.LBB2_2:
0x99: {  	[sflag:s15] =	ssyncadd.s32 $0xFFFFFF80;
	s31 =	sadd.s32 $0x2000, s31;
	s26 =	sadd.s32 $0x20000, s26  }
0x9a: {  	p0 =	sne.s32 s0, $0x1;
	s0 =	sadd.s32 $0xFFFFFFFF, s0;
	_ =	swait.ge [sflag:s16], $0x80  }
0x9b: {  	[sflag:s16] =	ssyncset.done $0x0  }
0x9c: {  	[sflag:s16] =	ssyncadd.s32 $0xFFFFFF80  }
0x9d: {  	_ =	swait.ge [sflag:s16], $0x4000  }
0x9e: {  	[sflag:s16] =	ssyncset.done $0x0  }
0x9f: {  	[sflag:s16] =	ssyncadd.s32 $0xFFFFC000  }
0xa0: {  	_ =	swait.ge [sflag:s16], $0x80  }
0xa1: {  	[sflag:s16] =	ssyncset.done $0x0  }
0xa2: {  	[sflag:s16] =	ssyncadd.s32 $0xFFFFFF80  }
0xa3: {  	_ =	swait.ge [sflag:s16], $0x80  }
0xa4: {  	[sflag:s16] =	ssyncset.done $0x0  }
0xa5: {  	[sflag:s16] =	ssyncadd.s32 $0xFFFFFF80  }
0xa6: {  	s28 =	sadd.s32 $0xFFFFE080, s31;
	_ =	swait.ge [sflag:s16], $0x80  }
0xa7: {  	s28 =	sshrl.u32 s28, $0x3;
	[sflag:s16] =	ssyncset.done $0x0  }
0xa8: {  	s29 =	sadd.s32 s7, s28;
	[sflag:s16] =	ssyncadd.s32 $0xFFFFFF80  }
0xa9: {  	[tilespmem:s17], [sflag:$0x2] =	stream.linear.gather [hbm4b:s29+s6], $0x80, $0x38;
	[tilespmem:$0x1CB80] =	vst v63  }
0xaa: {  	_ = 	snop  }
0xab: {  	[tilespmem:s18], [sflag:$0x2] =	stream.linear.gather [hbm4b:s26+s6], $0x4000, $0x38;
	[tilespmem:$0x1CB80] =	vst v63  }
0xac: {  	s29 =	sadd.s32 s9, s28  }
0xad: {  	[tilespmem:s19], [sflag:$0x2] =	stream.linear.gather [hbm4b:s29+s6], $0x80, $0x38;
	[tilespmem:$0x1CB80] =	vst v63  }
0xae: {  	s29 =	sadd.s32 s10, s28  }
0xaf: {  	[tilespmem:s22], [sflag:$0x2] =	stream.linear.gather [hbm4b:s29+s6], $0x80, $0x38;
	[tilespmem:$0x1CB80] =	vst v63  }
0xb0: {  	s28 =	sadd.s32 s11, s28  }
0xb1: {  	[tilespmem:s23], [sflag:$0x2] =	stream.linear.gather [hbm4b:s28+s6], $0x80, $0x38;
	[tilespmem:$0x1CB80] =	vst v63  }
0xb2: {  	_ = 	snop  }
0xb3: {  	[spmem:s1] =	stream.indirect.scatter.add.f32 [tilespmem:s4], [sflag:$0x3], $0x80, s6, s17, $0xb8;
	[tilespmem:$0x1CB80] =	vst v63  }
0xb4: {  	_ =	swait.ge [sflag:s15], $0x4000  }
0xb5: {  	[sflag:s15] =	ssyncset.done $0x0  }
0xb6: {  	[sflag:s15] =	ssyncadd.s32 $0xFFFFC000  }
0xb7: {  	[spmem:s2] =	stream.indirect.scatter.add.f32 [tilespmem:s12], [sflag:$0x3], $0x1, s6, s17, $0xb8;
	[tilespmem:$0x1CB80] =	vst v63  }
0xb8: {  	_ =	swait.ge [sflag:s15], $0x80  }
0xb9: {  	[sflag:s15] =	ssyncset.done $0x0  }
0xba: {  	[sflag:s15] =	ssyncadd.s32 $0xFFFFFF80  }
0xbb: {  	[spmem:s3] =	stream.indirect.scatter.add.f32 [tilespmem:s13], [sflag:$0x3], $0x1, s6, s17, $0xb8;
	[tilespmem:$0x1CB80] =	vst v63  }
0xbc: {  	_ =	swait.ge [sflag:s15], $0x80  }
0xbd: {  	[sflag:s15] =	ssyncset.done $0x0  }
0xbe: {  	[sflag:s15] =	ssyncadd.s32 $0xFFFFFF80  }
0xbf: {  	[spmem:s5] =	stream.indirect.scatter.add.f32 [tilespmem:s14], [sflag:$0x3], $0x1, s6, s17, $0xb8;
	[tilespmem:$0x1CB80] =	vst v63  }
0xc0: {  	_ =	swait.ge [sflag:s15], $0x80  }
0xc1: {  	[sflag:s15] =	ssyncset.done $0x0  }
0xc2: {  	[sflag:s15] =	ssyncadd.s32 $0xFFFFFF80  }
0xc3: {  	_ =	swait.ge [sflag:s24], $0x80  }
0xc4: {  	[sflag:s24] =	ssyncset.done $0x0  }
0xc5: {  	[sflag:s24] =	ssyncadd.s32 $0xFFFFFF80  }
0xc6: {  	_ =	swait.ge [sflag:s24], $0x4000  }
0xc7: {  	[sflag:s24] =	ssyncset.done $0x0  }
0xc8: {  	[sflag:s24] =	ssyncadd.s32 $0xFFFFC000  }
0xc9: {  	_ =	swait.ge [sflag:s24], $0x80  }
0xca: {  	[sflag:s24] =	ssyncset.done $0x0  }
0xcb: {  	[sflag:s24] =	ssyncadd.s32 $0xFFFFFF80  }
0xcc: {  	_ =	swait.ge [sflag:s24], $0x80  }
0xcd: {  	[sflag:s24] =	ssyncset.done $0x0  }
0xce: {  	p1 =	slt.s32 s31, $0x4E180;
	s28 =	smov.u32 s31;
	[sflag:s24] =	ssyncadd.s32 $0xFFFFFF80  }
0xcf: {  	s28 =	simm.s32 @!p1 $0x4E180;
	_ =	swait.ge [sflag:s24], $0x80  }
0xd0: {  	s29 =	sshrl.u32 s28, $0x3;
	s28 =	sshll.u32 s28, $0x4;
	[sflag:s24] =	ssyncset.done $0x0  }
0xd1: {  	s30 =	sadd.s32 s7, s29;
	[sflag:s24] =	ssyncadd.s32 $0xFFFFFF80  }
0xd2: {  	[tilespmem:s6], [sflag:$0x1] =	stream.linear.gather [hbm4b:s30+s6], $0x80, $0x38;
	[tilespmem:$0x1CB80] =	vst v63  }
0xd3: {  	s28 =	sadd.s32 s8, s28  }
0xd4: {  	[tilespmem:s4], [sflag:$0x1] =	stream.linear.gather [hbm4b:s28+s6], $0x4000, $0x38;
	[tilespmem:$0x1CB80] =	vst v63  }
0xd5: {  	s28 =	sadd.s32 s9, s29  }
0xd6: {  	[tilespmem:s12], [sflag:$0x1] =	stream.linear.gather [hbm4b:s28+s6], $0x80, $0x38;
	[tilespmem:$0x1CB80] =	vst v63  }
0xd7: {  	s28 =	sadd.s32 s10, s29  }
0xd8: {  	[tilespmem:s13], [sflag:$0x1] =	stream.linear.gather [hbm4b:s28+s6], $0x80, $0x38;
	[tilespmem:$0x1CB80] =	vst v63  }
0xd9: {  	s28 =	sadd.s32 s11, s29  }
0xda: {  	[tilespmem:s14], [sflag:$0x1] =	stream.linear.gather [hbm4b:s28+s6], $0x80, $0x38;
	[tilespmem:$0x1CB80] =	vst v63  }
0xdb: {  	_ = 	snop  }
0xdc: {  	[spmem:s1] =	stream.indirect.scatter.add.f32 [tilespmem:s18], [sflag:$0x3], $0x80, s17, s17, $0xb8;
	[tilespmem:$0x1CB80] =	vst v63  }
0xdd: {  	_ =	swait.ge [sflag:s15], $0x4000  }
0xde: {  	[sflag:s15] =	ssyncset.done $0x0  }
0xdf: {  	[sflag:s15] =	ssyncadd.s32 $0xFFFFC000  }
0xe0: {  	[spmem:s2] =	stream.indirect.scatter.add.f32 [tilespmem:s19], [sflag:$0x3], $0x1, s17, s17, $0xb8;
	[tilespmem:$0x1CB80] =	vst v63  }
0xe1: {  	_ =	swait.ge [sflag:s15], $0x80  }
0xe2: {  	[sflag:s15] =	ssyncset.done $0x0  }
0xe3: {  	[sflag:s15] =	ssyncadd.s32 $0xFFFFFF80  }
0xe4: {  	[spmem:s3] =	stream.indirect.scatter.add.f32 [tilespmem:s22], [sflag:$0x3], $0x1, s17, s17, $0xb8;
	[tilespmem:$0x1CB80] =	vst v63  }
0xe5: {  	_ =	swait.ge [sflag:s15], $0x80  }
.Ltmp1:
0xe6: {  	[sflag:s15] =	ssyncset.done $0x0;
	(pc) =	sbr.rel @p0 .LBB2_2-.Ltmp1, $4  }
0xe7: {  	[sflag:s15] =	ssyncadd.s32 $0xFFFFFF80  }
0xe8: {  	[spmem:s5] =	stream.indirect.scatter.add.f32 [tilespmem:s23], [sflag:$0x3], $0x1, s17, s17, $0xb8;
	[tilespmem:$0x1CB80] =	vst v63  }
0xe9: {  	_ =	swait.ge [sflag:s15], $0x80  }
0xea: {  	[sflag:s15] =	ssyncset.done $0x0  }
.LBB2_3:
0xeb: {  	[sflag:s15] =	ssyncadd.s32 $0xFFFFFF80  }
0xec: {  	_ =	swait.ge [sflag:s16], $0x80  }
0xed: {  	[sflag:s16] =	ssyncset.done $0x0  }
0xee: {  	[sflag:s16] =	ssyncadd.s32 $0xFFFFFF80  }
0xef: {  	_ =	swait.ge [sflag:s16], $0x4000  }
0xf0: {  	[sflag:s16] =	ssyncset.done $0x0  }
0xf1: {  	[sflag:s16] =	ssyncadd.s32 $0xFFFFC000  }
0xf2: {  	_ =	swait.ge [sflag:s16], $0x80  }
0xf3: {  	[sflag:s16] =	ssyncset.done $0x0  }
0xf4: {  	[sflag:s16] =	ssyncadd.s32 $0xFFFFFF80  }
0xf5: {  	_ =	swait.ge [sflag:s16], $0x80  }
0xf6: {  	[sflag:s16] =	ssyncset.done $0x0  }
0xf7: {  	[sflag:s16] =	ssyncadd.s32 $0xFFFFFF80  }
0xf8: {  	_ =	swait.ge [sflag:s16], $0x80  }
0xf9: {  	[sflag:s16] =	ssyncset.done $0x0  }
0xfa: {  	[sflag:s16] =	ssyncadd.s32 $0xFFFFFF80  }
0xfb: {  	[bflag:$0x0] =	sbarrier.arrive $0xFFFF  }
0xfc: {  	s0 =	rddreg [dreg:$0x13]  }
0xfd: {  	s26 =	rddreg [dreg:$0x19]  }
0xfe: {  	[hbm:s0], [sflag:s20] =	dma.local [spmem:s26], $0x2800  }
0xff: {  	_ =	swait.ge [sflag:s15], $0x2800  }
0x100: {  	[sflag:s15] =	ssyncset.done $0x0;
	s30 =	rddreg [dreg:$0x7]  }
0x101: {  	s31 =	rddreg [dreg:$0x1a];
	[sflag:s15] =	ssyncadd.s32 $0xFFFFD800  }
0x102: {  	[hbm:s30], [sflag:s20] =	dma.local [spmem:s31], $0x50  }
0x103: {  	_ =	swait.ge [sflag:s15], $0x50  }
0x104: {  	[sflag:s15] =	ssyncset.done $0x0;
	s26 =	rddreg [dreg:$0x14]  }
0x105: {  	s28 =	rddreg [dreg:$0x1b];
	[sflag:s15] =	ssyncadd.s32 $0xFFFFFFB0  }
0x106: {  	[hbm:s26], [sflag:s20] =	dma.local [spmem:s28], $0x50  }
0x107: {  	_ =	swait.ge [sflag:s15], $0x50  }
0x108: {  	[sflag:s15] =	ssyncset.done $0x0;
	s29 =	rddreg [dreg:$0x15]  }
0x109: {  	s30 =	rddreg [dreg:$0x1c];
	[sflag:s15] =	ssyncadd.s32 $0xFFFFFFB0  }
0x10a: {  	[hbm:s29], [sflag:s20] =	dma.local [spmem:s30], $0x50  }
0x10b: {  	_ =	swait.ge [sflag:s15], $0x50  }
0x10c: {  	s25 =	sadd.s32 $0x1, s25;
	s31 =	rddreg [dreg:$0x16]  }
0x10d: {  	p0 =	sne.s32 s25, s31  }
.Ltmp2:
0x10e: {  	_ = 	snop;
	(pc) =	sbr.rel @p0 .LBB2_1-.Ltmp2, $3  }
0x10f: {  	_ =	sdelay $0x1  }
0x110: {  	[sflag:s15] =	ssyncset.done $0x0  }
0x111: {  	[sflag:s15] =	ssyncadd.s32 $0xFFFFFFB0  }
0x112: {  	_ =	sfence.sel $0x180000  }
0x113: {  	[bflag:$0x0] =	sbarrier.arrive $0xFFFF  }
0x114: {  	_ =	strace $0x90000047  }
0x115: {  	s0 =	stileid.u32;
	[bflag:$0x2] =	sbarrier.arrive $0xFFFF  }
0x116: {  	p0 =	sne.s32 s0, $0x0;
	s0 =	rddreg [dreg:$0x6]  }
0x117: {  	s0 =	sadd.s32 @!p0 $0x100000, s0  }
0x118: {  	[sflag:s0] =	ssyncadd.tile.s32 @!p0 $0x1;
	_ =	shalt  }
.Lfunc_end2:
_tile_overlayer_lowered:
.L_overlay_start_2:
0x119: {  	(tag) =	ssettag $0x2  }
0x11a: {  	s0 =	rddreg [dreg:$0x0];
	s2 =	stileid.u32  }
0x11b: {  	s1 =	rddreg [dreg:$0x1];
	p0 =	sne.s32 s2, $0x0  }
0x11c: {  	s3 =	rddreg [dreg:$0x2];
	[bflag:$0x3] =	sbarrier.arrive $0xFFFF;
	s2 =	simm.s32 @!p0 $0x1C03  }
0x11d: {  	[timem:s3], [sflag:s2] =	dma.local @!p0 [hbm:s0], s1  }
0x11e: {  	s0 =	simm.s32 @!p0 $0x3  }
0x11f: {  	_ =	swait.ge @!p0 [sflag:s0], s1  }
0x120: {  	s1 =	ssub.s32 @!p0 $0x0, s1;
	[sflag:s0] =	ssyncset.done @!p0 $0x0  }
0x121: {  	[sflag:s0] =	ssyncadd.s32 @!p0 s1  }
0x122: {  	[bflag:$0x3] =	sbarrier.arrive $0xFFFF  }
0x123: {  	_ =	shalt  }

</sc_bundles>
